<compile_context>
chip_gen: v7x
topology: tpu7x:2x2x1
jax: 0.10.2.dev20260603
libtpu: 0.0.44.dev20260713+nightly
codegen_flags: <defaults>
</compile_context>

<pallas_src>
import functools

import jax
import jax.numpy as jnp
from jax import lax
from jax.experimental import pallas as pl
from jax.experimental.pallas import tpu as pltpu
from jax.experimental.pallas import tpu_sc as plsc

N, E, D = 10000, 160000, 256
HALF = D // 2
NTILES = 16
NP = 10112
RPT = NP // NTILES
EPT = E // NTILES
B = 128
NB = 80
NCHUNK = 2
CB = NB // NCHUNK

_mesh = plsc.VectorSubcoreMesh(core_axis_name="c", subcore_axis_name="s")


@functools.partial(
    pl.kernel,
    out_type=jax.ShapeDtypeStruct((2 * NP, HALF), jnp.float32),
    mesh=_mesh,
    scratch_types=[
        pltpu.VMEM((CB, B), jnp.int32),
        pltpu.VMEM((CB, B), jnp.int32),
        pltpu.VMEM((B, HALF), jnp.float32),
        pltpu.VMEM((B, HALF), jnp.float32),
        pltpu.VMEM_SHARED((NP, HALF), jnp.float32),
        pltpu.SemaphoreType.DMA,
        pltpu.SemaphoreType.DMA,
    ],
)
def _aggregate(xview, srcg, dstg, out, src_v, dst_v, buf0, buf1, acc,
               gsem0, gsem1):
    c = lax.axis_index("c")
    s = lax.axis_index("s")
    r0 = pl.multiple_of(s * RPT, 8)
    base = pl.multiple_of(c * NP, 8)

    zeros = jnp.zeros((16,), jnp.float32)

    @pl.loop(0, B)
    def _zrow(r):
        for j in range(HALF // 16):
            buf0[r, pl.ds(j * 16, 16)] = zeros

    for kk in range(RPT // B + 1):
        sz = B if kk < RPT // B else RPT - (RPT // B) * B
        pltpu.sync_copy(buf0.at[pl.ds(0, sz)], acc.at[pl.ds(r0 + kk * B, sz)])

    plsc.subcore_barrier()

    ring = ((buf0, gsem0), (buf1, gsem1))
    GSPLIT = 4

    def g_start(k, buf, sem):
        idx = src_v.at[k]
        w = B // GSPLIT
        for j in range(GSPLIT):
            pltpu.async_copy(xview.at[idx.at[pl.ds(j * w, w)]],
                             buf.at[pl.ds(j * w, w)], sem)

    def g_wait(k, buf, sem):
        pltpu.make_async_copy(xview.at[src_v.at[k]], buf, sem).wait()

    for cc in range(NCHUNK):
        pltpu.sync_copy(srcg.at[c * NTILES + s].at[pl.ds(cc * CB, CB)], src_v)
        pltpu.sync_copy(dstg.at[s].at[pl.ds(cc * CB, CB)], dst_v)

        g_start(0, buf0, gsem0)
        g_start(1, buf1, gsem1)

        @pl.loop(0, CB // 2)
        def _pair(gp):
            for b in range(2):
                buf, gsem = ring[b]
                k = gp * 2 + b
                g_wait(k, buf, gsem)
                pltpu.sync_copy(buf, acc.at[dst_v.at[k]], add=True)
                nk = k + 2

                @pl.when(nk < CB)
                def _():
                    g_start(nk, buf, gsem)

    plsc.subcore_barrier()
    pltpu.sync_copy(acc.at[pl.ds(r0, RPT)], out.at[pl.ds(base + r0, RPT)])


def _mlp_body(s_ref, x_ref, w1_ref, b1_ref, w2_ref, b2_ref, o_ref):
    dn = (((1,), (0,)), ((), ()))
    xb = x_ref[...]
    h = xb + jnp.concatenate([s_ref[0], s_ref[1]], axis=1)
    z = lax.dot_general(h.astype(jnp.bfloat16), w1_ref[...], dn,
                        preferred_element_type=jnp.float32) + b1_ref[...]
    u = 1.0 + jnp.exp(jnp.minimum(z, 40.0))
    h1 = z * (1.0 - 2.0 / (u * u + 1.0))
    z2 = lax.dot_general(h1.astype(jnp.bfloat16), w2_ref[...], dn,
                         preferred_element_type=jnp.float32) + b2_ref[...]
    o_ref[...] = xb + z2


_BM = 1000


def kernel(x, edge_index, W1, b1, W2, b2):
    src = edge_index[0]
    dst = edge_index[1]

    xview = x.reshape(2 * N, HALF)

    srcp = jnp.pad(src.reshape(NTILES, EPT), ((0, 0), (0, NB * B - EPT)))
    srcg = (2 * srcp[None] + jnp.arange(2, dtype=jnp.int32)[:, None, None])
    srcg = srcg.reshape(2 * NTILES, NB, B)
    dstg = jnp.pad(dst.reshape(NTILES, EPT), ((0, 0), (0, NB * B - EPT)),
                   constant_values=N).reshape(NTILES, NB, B)

    s3 = _aggregate(xview, srcg, dstg).reshape(2, NP, HALF)

    return pl.pallas_call(
        _mlp_body,
        grid=(N // _BM,),
        in_specs=[
            pl.BlockSpec((2, _BM, HALF), lambda i: (0, i, 0)),
            pl.BlockSpec((_BM, D), lambda i: (i, 0)),
            pl.BlockSpec((D, D), lambda i: (0, 0)),
            pl.BlockSpec((1, D), lambda i: (0, 0)),
            pl.BlockSpec((D, D), lambda i: (0, 0)),
            pl.BlockSpec((1, D), lambda i: (0, 0)),
        ],
        out_specs=pl.BlockSpec((_BM, D), lambda i: (i, 0)),
        out_shape=jax.ShapeDtypeStruct((N, D), jnp.float32),
    )(s3, x, W1.astype(jnp.bfloat16), b1.reshape(1, D),
      W2.astype(jnp.bfloat16), b2.reshape(1, D))

# --- scband reference (transcript-rebuilt; emitter-appended) ---
"""Pipeline reference for scband-ginconv-sc-38319698215461 (READ-ONLY COPY).

The authoritative reference and input builder live on the scoring server;
editing this copy changes nothing except your own understanding.
"""

import jax, jax.numpy as jnp
import numpy as np


def mish(x):
    return x * jnp.tanh(jax.nn.softplus(x))


def setup_inputs(seed: int = 0) -> dict:
    key = jax.random.key(seed)
    ks = jax.random.split(key, 8)
    N, E, D = 10000, 160000, 256
    x = jax.random.normal(ks[0], (N, D), dtype=jnp.float32)
    edge_index = jax.random.randint(ks[1], (2, E), 0, N, dtype=jnp.int32)
    # MLP params for nn.Sequential(Linear(D, D), Mish(), Linear(D, D))
    lim1 = 1.0 / np.sqrt(D)
    W1 = jax.random.uniform(ks[2], (D, D), jnp.float32, -lim1, lim1)
    b1 = jax.random.uniform(ks[3], (D,), jnp.float32, -lim1, lim1)
    lim2 = 1.0 / np.sqrt(D)
    W2 = jax.random.uniform(ks[4], (D, D), jnp.float32, -lim2, lim2)
    b2 = jax.random.uniform(ks[5], (D,), jnp.float32, -lim2, lim2)
    return {"x": x, "edge_index": edge_index, "W1": W1, "b1": b1, "W2": W2, "b2": b2}


def reference(x, edge_index, W1, b1, W2, b2):
    # GINConv (PyG, eps=0, train_eps=False):
    #   out = MLP((1 + eps) * x + sum_{j in N(i)} x_j)
    # GINConvSC wrapper adds residual: return x + out
    src = edge_index[0]
    dst = edge_index[1]
    msgs = jnp.take(x, src, axis=0)                       # gather x_j over edges
    aggr = jax.ops.segment_sum(msgs, dst, num_segments=x.shape[0])  # scatter-add to dst
    h = (1.0 + 0.0) * x + aggr
    h = mish(h @ W1 + b1)
    h = h @ W2 + b2
    return x + h

if __name__ == "__main__":
    import jax
    _d = setup_inputs()
    print(jax.jit(kernel)(*tuple(_d.values())))

</pallas_src>

<mosaic_0001>
#map = affine_map<(d0, d1) -> (0, 0)>
#map1 = affine_map<(d0, d1) -> (0, 0, 0)>
module attributes {stable_mosaic.version = 14 : i64} {
  func.func @_aggregate(%arg0: i32, %arg1: i32, %arg2: memref<20000x128xf32, #tpu.memory_space<hbm>>, %arg3: memref<32x80x128xi32, #tpu.memory_space<hbm>>, %arg4: memref<16x80x128xi32, #tpu.memory_space<hbm>>, %arg5: memref<20224x128xf32, #tpu.memory_space<hbm>>, %arg6: memref<40x128xi32, #tpu.memory_space<vmem>>, %arg7: memref<40x128xi32, #tpu.memory_space<vmem>>, %arg8: memref<128x128xf32, #tpu.memory_space<vmem>>, %arg9: memref<128x128xf32, #tpu.memory_space<vmem>>, %arg10: memref<10112x128xf32, #tpu.memory_space<vmem_shared>>, %arg11: memref<!tpu.dma_semaphore, #tpu.memory_space<semaphore_mem>>, %arg12: memref<!tpu.dma_semaphore, #tpu.memory_space<semaphore_mem>>) attributes {dimension_semantics = [#tpu.dimension_semantics<core_parallel>, #tpu.dimension_semantics<subcore_parallel>], iteration_bounds = array<i64: 2, 16>, scalar_prefetch = 0 : i64, scratch_operands = 7 : i64, tpu.core_type = #tpu.core_type<sc_vector_subcore>, window_params = [{transform_indices = #map}, {transform_indices = #map1}, {transform_indices = #map1}, {transform_indices = #map}]} {
    %mul3A = arith.constant 632 : i32
    %mul3A_0 = arith.muli %arg1, %mul3A : i32
    %multiple_of3A = tpu.assume_multiple %mul3A_0, 8 : i32
    %mul3A_1 = arith.constant 10112 : i32
    %mul3A_2 = arith.muli %arg0, %mul3A_1 : i32
    %multiple_of3A_3 = tpu.assume_multiple %mul3A_2, 8 : i32
    %broadcast_in_dim3A = arith.constant 0.000000e+00 : f32
    %broadcast_in_dim3A_4 = vector.broadcast %broadcast_in_dim3A : f32 to vector<16xf32>
    %scan3A = arith.constant 0 : i32
    %scan3A_5 = arith.constant 128 : i32
    %scan3A_6 = arith.addi %scan3A, %scan3A_5 : i32
    %scan3A_7 = arith.constant 1 : i32
    scf.for %scan3A_227 = %scan3A to %scan3A_6 step %scan3A_7  : i32 {
      %mul3A_228 = arith.constant 1 : i32
      %mul3A_229 = arith.muli %scan3A_227, %mul3A_228 : i32
      %add3A_230 = arith.constant 0 : i32
      %add3A_231 = arith.addi %add3A_230, %mul3A_229 : i32
      %swap3A = arith.index_cast %add3A_231 : i32 to index
      %swap3A_232 = arith.constant 0 : index
      %swap3A_233 = tpu.vector_load %arg8[%swap3A, %swap3A_232] {strides = array<i32>} : memref<128x128xf32, #tpu.memory_space<vmem>>, vector<1x16xf32>,
      %swap3A_234 = vector.shape_cast %swap3A_233 : vector<1x16xf32> to vector<16xf32>
      %swap3A_235 = vector.shape_cast %broadcast_in_dim3A_4 : vector<16xf32> to vector<1x16xf32>
      tpu.vector_store %arg8[%swap3A, %swap3A_232], %swap3A_235 {strides = array<i32>} : memref<128x128xf32, #tpu.memory_space<vmem>>, vector<1x16xf32>,
      %swap3A_236 = arith.index_cast %add3A_231 : i32 to index
      %swap3A_237 = arith.constant 16 : index
      %swap3A_238 = tpu.vector_load %arg8[%swap3A_236, %swap3A_237] {strides = array<i32>} : memref<128x128xf32, #tpu.memory_space<vmem>>, vector<1x16xf32>,
      %swap3A_239 = vector.shape_cast %swap3A_238 : vector<1x16xf32> to vector<16xf32>
      %swap3A_240 = vector.shape_cast %broadcast_in_dim3A_4 : vector<16xf32> to vector<1x16xf32>
      tpu.vector_store %arg8[%swap3A_236, %swap3A_237], %swap3A_240 {strides = array<i32>} : memref<128x128xf32, #tpu.memory_space<vmem>>, vector<1x16xf32>,
      %swap3A_241 = arith.index_cast %add3A_231 : i32 to index
      %swap3A_242 = arith.constant 32 : index
      %swap3A_243 = tpu.vector_load %arg8[%swap3A_241, %swap3A_242] {strides = array<i32>} : memref<128x128xf32, #tpu.memory_space<vmem>>, vector<1x16xf32>,
      %swap3A_244 = vector.shape_cast %swap3A_243 : vector<1x16xf32> to vector<16xf32>
      %swap3A_245 = vector.shape_cast %broadcast_in_dim3A_4 : vector<16xf32> to vector<1x16xf32>
      tpu.vector_store %arg8[%swap3A_241, %swap3A_242], %swap3A_245 {strides = array<i32>} : memref<128x128xf32, #tpu.memory_space<vmem>>, vector<1x16xf32>,
      %swap3A_246 = arith.index_cast %add3A_231 : i32 to index
      %swap3A_247 = arith.constant 48 : index
      %swap3A_248 = tpu.vector_load %arg8[%swap3A_246, %swap3A_247] {strides = array<i32>} : memref<128x128xf32, #tpu.memory_space<vmem>>, vector<1x16xf32>,
      %swap3A_249 = vector.shape_cast %swap3A_248 : vector<1x16xf32> to vector<16xf32>
      %swap3A_250 = vector.shape_cast %broadcast_in_dim3A_4 : vector<16xf32> to vector<1x16xf32>
      tpu.vector_store %arg8[%swap3A_246, %swap3A_247], %swap3A_250 {strides = array<i32>} : memref<128x128xf32, #tpu.memory_space<vmem>>, vector<1x16xf32>,
      %swap3A_251 = arith.index_cast %add3A_231 : i32 to index
      %swap3A_252 = arith.constant 64 : index
      %swap3A_253 = tpu.vector_load %arg8[%swap3A_251, %swap3A_252] {strides = array<i32>} : memref<128x128xf32, #tpu.memory_space<vmem>>, vector<1x16xf32>,
      %swap3A_254 = vector.shape_cast %swap3A_253 : vector<1x16xf32> to vector<16xf32>
      %swap3A_255 = vector.shape_cast %broadcast_in_dim3A_4 : vector<16xf32> to vector<1x16xf32>
      tpu.vector_store %arg8[%swap3A_251, %swap3A_252], %swap3A_255 {strides = array<i32>} : memref<128x128xf32, #tpu.memory_space<vmem>>, vector<1x16xf32>,
      %swap3A_256 = arith.index_cast %add3A_231 : i32 to index
      %swap3A_257 = arith.constant 80 : index
      %swap3A_258 = tpu.vector_load %arg8[%swap3A_256, %swap3A_257] {strides = array<i32>} : memref<128x128xf32, #tpu.memory_space<vmem>>, vector<1x16xf32>,
      %swap3A_259 = vector.shape_cast %swap3A_258 : vector<1x16xf32> to vector<16xf32>
      %swap3A_260 = vector.shape_cast %broadcast_in_dim3A_4 : vector<16xf32> to vector<1x16xf32>
      tpu.vector_store %arg8[%swap3A_256, %swap3A_257], %swap3A_260 {strides = array<i32>} : memref<128x128xf32, #tpu.memory_space<vmem>>, vector<1x16xf32>,
      %swap3A_261 = arith.index_cast %add3A_231 : i32 to index
      %swap3A_262 = arith.constant 96 : index
      %swap3A_263 = tpu.vector_load %arg8[%swap3A_261, %swap3A_262] {strides = array<i32>} : memref<128x128xf32, #tpu.memory_space<vmem>>, vector<1x16xf32>,
      %swap3A_264 = vector.shape_cast %swap3A_263 : vector<1x16xf32> to vector<16xf32>
      %swap3A_265 = vector.shape_cast %broadcast_in_dim3A_4 : vector<16xf32> to vector<1x16xf32>
      tpu.vector_store %arg8[%swap3A_261, %swap3A_262], %swap3A_265 {strides = array<i32>} : memref<128x128xf32, #tpu.memory_space<vmem>>, vector<1x16xf32>,
      %swap3A_266 = arith.index_cast %add3A_231 : i32 to index
      %swap3A_267 = arith.constant 112 : index
      %swap3A_268 = tpu.vector_load %arg8[%swap3A_266, %swap3A_267] {strides = array<i32>} : memref<128x128xf32, #tpu.memory_space<vmem>>, vector<1x16xf32>,
      %swap3A_269 = vector.shape_cast %swap3A_268 : vector<1x16xf32> to vector<16xf32>
      %swap3A_270 = vector.shape_cast %broadcast_in_dim3A_4 : vector<16xf32> to vector<1x16xf32>
      tpu.vector_store %arg8[%swap3A_266, %swap3A_267], %swap3A_270 {strides = array<i32>} : memref<128x128xf32, #tpu.memory_space<vmem>>, vector<1x16xf32>,
    }
    %scan3A_8 = arith.constant 128 : i32
    %add3A = arith.constant 0 : i32
    %add3A_9 = arith.addi %multiple_of3A, %add3A : i32
    "tpu.region"() ({
      %run_scoped3A = tpu.sem_alloc : memref<!tpu.dma_semaphore, #tpu.memory_space<semaphore_mem>>
      %dma_start3A_227 = arith.constant 0 : i32
      %dma_start3A_228 = arith.constant 0 : i32
      %dma_start3A_229 = tpu.memref_slice %arg8[%dma_start3A_227, %dma_start3A_228] : memref<128x128xf32, #tpu.memory_space<vmem>> -> memref<128x128xf32, #tpu.memory_space<vmem>>
      %dma_start3A_230 = arith.constant 0 : i32
      %dma_start3A_231 = tpu.memref_slice %arg10[%add3A_9, %dma_start3A_230] : memref<10112x128xf32, #tpu.memory_space<vmem_shared>> -> memref<128x128xf32, #tpu.memory_space<vmem_shared>>
      %dma_start3A_232 = arith.constant 0 : i32
      %dma_start3A_233 = tpu.memref_slice %arg10[%add3A_9, %dma_start3A_232] : memref<10112x128xf32, #tpu.memory_space<vmem_shared>> -> memref<128x128xf32, #tpu.memory_space<vmem_shared>>
      %dma_start3A_234 = arith.constant 0 : i32
      %dma_start3A_235 = arith.constant 0 : i32
      %dma_start3A_236 = tpu.memref_slice %arg8[%dma_start3A_234, %dma_start3A_235] : memref<128x128xf32, #tpu.memory_space<vmem>> -> memref<128x128xf32, #tpu.memory_space<vmem>>
      tpu.enqueue_dma source(%dma_start3A_236 : memref<128x128xf32, #tpu.memory_space<vmem>>) target(%dma_start3A_233 : memref<128x128xf32, #tpu.memory_space<vmem_shared>>) target_semaphore(%run_scoped3A : memref<!tpu.dma_semaphore, #tpu.memory_space<semaphore_mem>>)
      %dma_wait3A = arith.constant 0 : i32
      %dma_wait3A_237 = arith.constant 0 : i32
      %dma_wait3A_238 = tpu.memref_slice %arg8[%dma_wait3A, %dma_wait3A_237] : memref<128x128xf32, #tpu.memory_space<vmem>> -> memref<128x128xf32, #tpu.memory_space<vmem>>
      %dma_wait3A_239 = arith.constant 0 : i32
      %dma_wait3A_240 = tpu.memref_slice %arg10[%add3A_9, %dma_wait3A_239] : memref<10112x128xf32, #tpu.memory_space<vmem_shared>> -> memref<128x128xf32, #tpu.memory_space<vmem_shared>>
      %dma_wait3A_241 = arith.constant 0 : i32
      %dma_wait3A_242 = tpu.memref_slice %arg10[%add3A_9, %dma_wait3A_241] : memref<10112x128xf32, #tpu.memory_space<vmem_shared>> -> memref<128x128xf32, #tpu.memory_space<vmem_shared>>
      %dma_wait3A_243 = arith.constant 0 : i32
      %dma_wait3A_244 = arith.constant 0 : i32
      %dma_wait3A_245 = tpu.memref_slice %arg8[%dma_wait3A_243, %dma_wait3A_244] : memref<128x128xf32, #tpu.memory_space<vmem>> -> memref<128x128xf32, #tpu.memory_space<vmem>>
      tpu.wait_dma2 semaphore(%run_scoped3A : memref<!tpu.dma_semaphore, #tpu.memory_space<semaphore_mem>>) src(%dma_wait3A_245 : memref<128x128xf32, #tpu.memory_space<vmem>>) dst(%dma_wait3A_242 : memref<128x128xf32, #tpu.memory_space<vmem_shared>>)
      tpu.yield
    }) : () -> ()
    %add3A_10 = arith.constant 128 : i32
    %add3A_11 = arith.addi %multiple_of3A, %add3A_10 : i32
    "tpu.region"() ({
      %run_scoped3A = tpu.sem_alloc : memref<!tpu.dma_semaphore, #tpu.memory_space<semaphore_mem>>
      %dma_start3A_227 = arith.constant 0 : i32
      %dma_start3A_228 = arith.constant 0 : i32
      %dma_start3A_229 = tpu.memref_slice %arg8[%dma_start3A_227, %dma_start3A_228] : memref<128x128xf32, #tpu.memory_space<vmem>> -> memref<128x128xf32, #tpu.memory_space<vmem>>
      %dma_start3A_230 = arith.constant 0 : i32
      %dma_start3A_231 = tpu.memref_slice %arg10[%add3A_11, %dma_start3A_230] : memref<10112x128xf32, #tpu.memory_space<vmem_shared>> -> memref<128x128xf32, #tpu.memory_space<vmem_shared>>
      %dma_start3A_232 = arith.constant 0 : i32
      %dma_start3A_233 = tpu.memref_slice %arg10[%add3A_11, %dma_start3A_232] : memref<10112x128xf32, #tpu.memory_space<vmem_shared>> -> memref<128x128xf32, #tpu.memory_space<vmem_shared>>
      %dma_start3A_234 = arith.constant 0 : i32
      %dma_start3A_235 = arith.constant 0 : i32
      %dma_start3A_236 = tpu.memref_slice %arg8[%dma_start3A_234, %dma_start3A_235] : memref<128x128xf32, #tpu.memory_space<vmem>> -> memref<128x128xf32, #tpu.memory_space<vmem>>
      tpu.enqueue_dma source(%dma_start3A_236 : memref<128x128xf32, #tpu.memory_space<vmem>>) target(%dma_start3A_233 : memref<128x128xf32, #tpu.memory_space<vmem_shared>>) target_semaphore(%run_scoped3A : memref<!tpu.dma_semaphore, #tpu.memory_space<semaphore_mem>>)
      %dma_wait3A = arith.constant 0 : i32
      %dma_wait3A_237 = arith.constant 0 : i32
      %dma_wait3A_238 = tpu.memref_slice %arg8[%dma_wait3A, %dma_wait3A_237] : memref<128x128xf32, #tpu.memory_space<vmem>> -> memref<128x128xf32, #tpu.memory_space<vmem>>
      %dma_wait3A_239 = arith.constant 0 : i32
      %dma_wait3A_240 = tpu.memref_slice %arg10[%add3A_11, %dma_wait3A_239] : memref<10112x128xf32, #tpu.memory_space<vmem_shared>> -> memref<128x128xf32, #tpu.memory_space<vmem_shared>>
      %dma_wait3A_241 = arith.constant 0 : i32
      %dma_wait3A_242 = tpu.memref_slice %arg10[%add3A_11, %dma_wait3A_241] : memref<10112x128xf32, #tpu.memory_space<vmem_shared>> -> memref<128x128xf32, #tpu.memory_space<vmem_shared>>
      %dma_wait3A_243 = arith.constant 0 : i32
      %dma_wait3A_244 = arith.constant 0 : i32
      %dma_wait3A_245 = tpu.memref_slice %arg8[%dma_wait3A_243, %dma_wait3A_244] : memref<128x128xf32, #tpu.memory_space<vmem>> -> memref<128x128xf32, #tpu.memory_space<vmem>>
      tpu.wait_dma2 semaphore(%run_scoped3A : memref<!tpu.dma_semaphore, #tpu.memory_space<semaphore_mem>>) src(%dma_wait3A_245 : memref<128x128xf32, #tpu.memory_space<vmem>>) dst(%dma_wait3A_242 : memref<128x128xf32, #tpu.memory_space<vmem_shared>>)
      tpu.yield
    }) : () -> ()
    %add3A_12 = arith.constant 256 : i32
    %add3A_13 = arith.addi %multiple_of3A, %add3A_12 : i32
    "tpu.region"() ({
      %run_scoped3A = tpu.sem_alloc : memref<!tpu.dma_semaphore, #tpu.memory_space<semaphore_mem>>
      %dma_start3A_227 = arith.constant 0 : i32
      %dma_start3A_228 = arith.constant 0 : i32
      %dma_start3A_229 = tpu.memref_slice %arg8[%dma_start3A_227, %dma_start3A_228] : memref<128x128xf32, #tpu.memory_space<vmem>> -> memref<128x128xf32, #tpu.memory_space<vmem>>
      %dma_start3A_230 = arith.constant 0 : i32
      %dma_start3A_231 = tpu.memref_slice %arg10[%add3A_13, %dma_start3A_230] : memref<10112x128xf32, #tpu.memory_space<vmem_shared>> -> memref<128x128xf32, #tpu.memory_space<vmem_shared>>
      %dma_start3A_232 = arith.constant 0 : i32
      %dma_start3A_233 = tpu.memref_slice %arg10[%add3A_13, %dma_start3A_232] : memref<10112x128xf32, #tpu.memory_space<vmem_shared>> -> memref<128x128xf32, #tpu.memory_space<vmem_shared>>
      %dma_start3A_234 = arith.constant 0 : i32
      %dma_start3A_235 = arith.constant 0 : i32
      %dma_start3A_236 = tpu.memref_slice %arg8[%dma_start3A_234, %dma_start3A_235] : memref<128x128xf32, #tpu.memory_space<vmem>> -> memref<128x128xf32, #tpu.memory_space<vmem>>
      tpu.enqueue_dma source(%dma_start3A_236 : memref<128x128xf32, #tpu.memory_space<vmem>>) target(%dma_start3A_233 : memref<128x128xf32, #tpu.memory_space<vmem_shared>>) target_semaphore(%run_scoped3A : memref<!tpu.dma_semaphore, #tpu.memory_space<semaphore_mem>>)
      %dma_wait3A = arith.constant 0 : i32
      %dma_wait3A_237 = arith.constant 0 : i32
      %dma_wait3A_238 = tpu.memref_slice %arg8[%dma_wait3A, %dma_wait3A_237] : memref<128x128xf32, #tpu.memory_space<vmem>> -> memref<128x128xf32, #tpu.memory_space<vmem>>
      %dma_wait3A_239 = arith.constant 0 : i32
      %dma_wait3A_240 = tpu.memref_slice %arg10[%add3A_13, %dma_wait3A_239] : memref<10112x128xf32, #tpu.memory_space<vmem_shared>> -> memref<128x128xf32, #tpu.memory_space<vmem_shared>>
      %dma_wait3A_241 = arith.constant 0 : i32
      %dma_wait3A_242 = tpu.memref_slice %arg10[%add3A_13, %dma_wait3A_241] : memref<10112x128xf32, #tpu.memory_space<vmem_shared>> -> memref<128x128xf32, #tpu.memory_space<vmem_shared>>
      %dma_wait3A_243 = arith.constant 0 : i32
      %dma_wait3A_244 = arith.constant 0 : i32
      %dma_wait3A_245 = tpu.memref_slice %arg8[%dma_wait3A_243, %dma_wait3A_244] : memref<128x128xf32, #tpu.memory_space<vmem>> -> memref<128x128xf32, #tpu.memory_space<vmem>>
      tpu.wait_dma2 semaphore(%run_scoped3A : memref<!tpu.dma_semaphore, #tpu.memory_space<semaphore_mem>>) src(%dma_wait3A_245 : memref<128x128xf32, #tpu.memory_space<vmem>>) dst(%dma_wait3A_242 : memref<128x128xf32, #tpu.memory_space<vmem_shared>>)
      tpu.yield
    }) : () -> ()
    %add3A_14 = arith.constant 384 : i32
    %add3A_15 = arith.addi %multiple_of3A, %add3A_14 : i32
    "tpu.region"() ({
      %run_scoped3A = tpu.sem_alloc : memref<!tpu.dma_semaphore, #tpu.memory_space<semaphore_mem>>
      %dma_start3A_227 = arith.constant 0 : i32
      %dma_start3A_228 = arith.constant 0 : i32
      %dma_start3A_229 = tpu.memref_slice %arg8[%dma_start3A_227, %dma_start3A_228] : memref<128x128xf32, #tpu.memory_space<vmem>> -> memref<128x128xf32, #tpu.memory_space<vmem>>
      %dma_start3A_230 = arith.constant 0 : i32
      %dma_start3A_231 = tpu.memref_slice %arg10[%add3A_15, %dma_start3A_230] : memref<10112x128xf32, #tpu.memory_space<vmem_shared>> -> memref<128x128xf32, #tpu.memory_space<vmem_shared>>
      %dma_start3A_232 = arith.constant 0 : i32
      %dma_start3A_233 = tpu.memref_slice %arg10[%add3A_15, %dma_start3A_232] : memref<10112x128xf32, #tpu.memory_space<vmem_shared>> -> memref<128x128xf32, #tpu.memory_space<vmem_shared>>
      %dma_start3A_234 = arith.constant 0 : i32
      %dma_start3A_235 = arith.constant 0 : i32
      %dma_start3A_236 = tpu.memref_slice %arg8[%dma_start3A_234, %dma_start3A_235] : memref<128x128xf32, #tpu.memory_space<vmem>> -> memref<128x128xf32, #tpu.memory_space<vmem>>
      tpu.enqueue_dma source(%dma_start3A_236 : memref<128x128xf32, #tpu.memory_space<vmem>>) target(%dma_start3A_233 : memref<128x128xf32, #tpu.memory_space<vmem_shared>>) target_semaphore(%run_scoped3A : memref<!tpu.dma_semaphore, #tpu.memory_space<semaphore_mem>>)
      %dma_wait3A = arith.constant 0 : i32
      %dma_wait3A_237 = arith.constant 0 : i32
      %dma_wait3A_238 = tpu.memref_slice %arg8[%dma_wait3A, %dma_wait3A_237] : memref<128x128xf32, #tpu.memory_space<vmem>> -> memref<128x128xf32, #tpu.memory_space<vmem>>
      %dma_wait3A_239 = arith.constant 0 : i32
      %dma_wait3A_240 = tpu.memref_slice %arg10[%add3A_15, %dma_wait3A_239] : memref<10112x128xf32, #tpu.memory_space<vmem_shared>> -> memref<128x128xf32, #tpu.memory_space<vmem_shared>>
      %dma_wait3A_241 = arith.constant 0 : i32
      %dma_wait3A_242 = tpu.memref_slice %arg10[%add3A_15, %dma_wait3A_241] : memref<10112x128xf32, #tpu.memory_space<vmem_shared>> -> memref<128x128xf32, #tpu.memory_space<vmem_shared>>
      %dma_wait3A_243 = arith.constant 0 : i32
      %dma_wait3A_244 = arith.constant 0 : i32
      %dma_wait3A_245 = tpu.memref_slice %arg8[%dma_wait3A_243, %dma_wait3A_244] : memref<128x128xf32, #tpu.memory_space<vmem>> -> memref<128x128xf32, #tpu.memory_space<vmem>>
      tpu.wait_dma2 semaphore(%run_scoped3A : memref<!tpu.dma_semaphore, #tpu.memory_space<semaphore_mem>>) src(%dma_wait3A_245 : memref<128x128xf32, #tpu.memory_space<vmem>>) dst(%dma_wait3A_242 : memref<128x128xf32, #tpu.memory_space<vmem_shared>>)
      tpu.yield
    }) : () -> ()
    %add3A_16 = arith.constant 512 : i32
    %add3A_17 = arith.addi %multiple_of3A, %add3A_16 : i32
    "tpu.region"() ({
      %run_scoped3A = tpu.sem_alloc : memref<!tpu.dma_semaphore, #tpu.memory_space<semaphore_mem>>
      %dma_start3A_227 = arith.constant 0 : i32
      %dma_start3A_228 = arith.constant 0 : i32
      %dma_start3A_229 = tpu.memref_slice %arg8[%dma_start3A_227, %dma_start3A_228] : memref<128x128xf32, #tpu.memory_space<vmem>> -> memref<120x128xf32, #tpu.memory_space<vmem>>
      %dma_start3A_230 = arith.constant 0 : i32
      %dma_start3A_231 = tpu.memref_slice %arg10[%add3A_17, %dma_start3A_230] : memref<10112x128xf32, #tpu.memory_space<vmem_shared>> -> memref<120x128xf32, #tpu.memory_space<vmem_shared>>
      %dma_start3A_232 = arith.constant 0 : i32
      %dma_start3A_233 = tpu.memref_slice %arg10[%add3A_17, %dma_start3A_232] : memref<10112x128xf32, #tpu.memory_space<vmem_shared>> -> memref<120x128xf32, #tpu.memory_space<vmem_shared>>
      %dma_start3A_234 = arith.constant 0 : i32
      %dma_start3A_235 = arith.constant 0 : i32
      %dma_start3A_236 = tpu.memref_slice %arg8[%dma_start3A_234, %dma_start3A_235] : memref<128x128xf32, #tpu.memory_space<vmem>> -> memref<120x128xf32, #tpu.memory_space<vmem>>
      tpu.enqueue_dma source(%dma_start3A_236 : memref<120x128xf32, #tpu.memory_space<vmem>>) target(%dma_start3A_233 : memref<120x128xf32, #tpu.memory_space<vmem_shared>>) target_semaphore(%run_scoped3A : memref<!tpu.dma_semaphore, #tpu.memory_space<semaphore_mem>>)
      %dma_wait3A = arith.constant 0 : i32
      %dma_wait3A_237 = arith.constant 0 : i32
      %dma_wait3A_238 = tpu.memref_slice %arg8[%dma_wait3A, %dma_wait3A_237] : memref<128x128xf32, #tpu.memory_space<vmem>> -> memref<120x128xf32, #tpu.memory_space<vmem>>
      %dma_wait3A_239 = arith.constant 0 : i32
      %dma_wait3A_240 = tpu.memref_slice %arg10[%add3A_17, %dma_wait3A_239] : memref<10112x128xf32, #tpu.memory_space<vmem_shared>> -> memref<120x128xf32, #tpu.memory_space<vmem_shared>>
      %dma_wait3A_241 = arith.constant 0 : i32
      %dma_wait3A_242 = tpu.memref_slice %arg10[%add3A_17, %dma_wait3A_241] : memref<10112x128xf32, #tpu.memory_space<vmem_shared>> -> memref<120x128xf32, #tpu.memory_space<vmem_shared>>
      %dma_wait3A_243 = arith.constant 0 : i32
      %dma_wait3A_244 = arith.constant 0 : i32
      %dma_wait3A_245 = tpu.memref_slice %arg8[%dma_wait3A_243, %dma_wait3A_244] : memref<128x128xf32, #tpu.memory_space<vmem>> -> memref<120x128xf32, #tpu.memory_space<vmem>>
      tpu.wait_dma2 semaphore(%run_scoped3A : memref<!tpu.dma_semaphore, #tpu.memory_space<semaphore_mem>>) src(%dma_wait3A_245 : memref<120x128xf32, #tpu.memory_space<vmem>>) dst(%dma_wait3A_242 : memref<120x128xf32, #tpu.memory_space<vmem_shared>>)
      tpu.yield
    }) : () -> ()
    %barrier3A = arith.constant 0 : index
    tpu.barrier barrier_id(%barrier3A)
    %mul3A_18 = arith.constant 16 : i32
    %mul3A_19 = arith.muli %arg0, %mul3A_18 : i32
    %add3A_20 = arith.addi %mul3A_19, %arg1 : i32
    "tpu.region"() ({
      %run_scoped3A = tpu.sem_alloc : memref<!tpu.dma_semaphore, #tpu.memory_space<semaphore_mem>>
      %dma_start3A_227 = arith.constant 0 : i32
      %dma_start3A_228 = arith.constant 0 : i32
      %dma_start3A_229 = tpu.memref_slice %arg3[%add3A_20, %dma_start3A_227, %dma_start3A_228] : memref<32x80x128xi32, #tpu.memory_space<hbm>> -> memref<1x80x128xi32, #tpu.memory_space<hbm>>
      %dma_start3A_230 = tpu.memref_squeeze %dma_start3A_229 : memref<1x80x128xi32, #tpu.memory_space<hbm>> -> memref<80x128xi32, #tpu.memory_space<hbm>>
      %dma_start3A_231 = arith.constant 0 : i32
      %dma_start3A_232 = arith.constant 0 : i32
      %dma_start3A_233 = tpu.memref_slice %dma_start3A_230[%dma_start3A_231, %dma_start3A_232] : memref<80x128xi32, #tpu.memory_space<hbm>> -> memref<40x128xi32, #tpu.memory_space<hbm>>
      %dma_start3A_234 = arith.constant 0 : i32
      %dma_start3A_235 = arith.constant 0 : i32
      %dma_start3A_236 = tpu.memref_slice %arg3[%add3A_20, %dma_start3A_234, %dma_start3A_235] : memref<32x80x128xi32, #tpu.memory_space<hbm>> -> memref<1x80x128xi32, #tpu.memory_space<hbm>>
      %dma_start3A_237 = tpu.memref_squeeze %dma_start3A_236 : memref<1x80x128xi32, #tpu.memory_space<hbm>> -> memref<80x128xi32, #tpu.memory_space<hbm>>
      %dma_start3A_238 = arith.constant 0 : i32
      %dma_start3A_239 = arith.constant 0 : i32
      %dma_start3A_240 = tpu.memref_slice %dma_start3A_237[%dma_start3A_238, %dma_start3A_239] : memref<80x128xi32, #tpu.memory_space<hbm>> -> memref<40x128xi32, #tpu.memory_space<hbm>>
      tpu.enqueue_dma source(%dma_start3A_240 : memref<40x128xi32, #tpu.memory_space<hbm>>) target(%arg6 : memref<40x128xi32, #tpu.memory_space<vmem>>) target_semaphore(%run_scoped3A : memref<!tpu.dma_semaphore, #tpu.memory_space<semaphore_mem>>)
      %dma_wait3A = arith.constant 0 : i32
      %dma_wait3A_241 = arith.constant 0 : i32
      %dma_wait3A_242 = tpu.memref_slice %arg3[%add3A_20, %dma_wait3A, %dma_wait3A_241] : memref<32x80x128xi32, #tpu.memory_space<hbm>> -> memref<1x80x128xi32, #tpu.memory_space<hbm>>
      %dma_wait3A_243 = tpu.memref_squeeze %dma_wait3A_242 : memref<1x80x128xi32, #tpu.memory_space<hbm>> -> memref<80x128xi32, #tpu.memory_space<hbm>>
      %dma_wait3A_244 = arith.constant 0 : i32
      %dma_wait3A_245 = arith.constant 0 : i32
      %dma_wait3A_246 = tpu.memref_slice %dma_wait3A_243[%dma_wait3A_244, %dma_wait3A_245] : memref<80x128xi32, #tpu.memory_space<hbm>> -> memref<40x128xi32, #tpu.memory_space<hbm>>
      %dma_wait3A_247 = arith.constant 0 : i32
      %dma_wait3A_248 = arith.constant 0 : i32
      %dma_wait3A_249 = tpu.memref_slice %arg3[%add3A_20, %dma_wait3A_247, %dma_wait3A_248] : memref<32x80x128xi32, #tpu.memory_space<hbm>> -> memref<1x80x128xi32, #tpu.memory_space<hbm>>
      %dma_wait3A_250 = tpu.memref_squeeze %dma_wait3A_249 : memref<1x80x128xi32, #tpu.memory_space<hbm>> -> memref<80x128xi32, #tpu.memory_space<hbm>>
      %dma_wait3A_251 = arith.constant 0 : i32
      %dma_wait3A_252 = arith.constant 0 : i32
      %dma_wait3A_253 = tpu.memref_slice %dma_wait3A_250[%dma_wait3A_251, %dma_wait3A_252] : memref<80x128xi32, #tpu.memory_space<hbm>> -> memref<40x128xi32, #tpu.memory_space<hbm>>
      tpu.wait_dma2 semaphore(%run_scoped3A : memref<!tpu.dma_semaphore, #tpu.memory_space<semaphore_mem>>) src(%dma_wait3A_253 : memref<40x128xi32, #tpu.memory_space<hbm>>) dst(%arg6 : memref<40x128xi32, #tpu.memory_space<vmem>>)
      tpu.yield
    }) : () -> ()
    "tpu.region"() ({
      %run_scoped3A = tpu.sem_alloc : memref<!tpu.dma_semaphore, #tpu.memory_space<semaphore_mem>>
      %dma_start3A_227 = arith.constant 0 : i32
      %dma_start3A_228 = arith.constant 0 : i32
      %dma_start3A_229 = tpu.memref_slice %arg4[%arg1, %dma_start3A_227, %dma_start3A_228] : memref<16x80x128xi32, #tpu.memory_space<hbm>> -> memref<1x80x128xi32, #tpu.memory_space<hbm>>
      %dma_start3A_230 = tpu.memref_squeeze %dma_start3A_229 : memref<1x80x128xi32, #tpu.memory_space<hbm>> -> memref<80x128xi32, #tpu.memory_space<hbm>>
      %dma_start3A_231 = arith.constant 0 : i32
      %dma_start3A_232 = arith.constant 0 : i32
      %dma_start3A_233 = tpu.memref_slice %dma_start3A_230[%dma_start3A_231, %dma_start3A_232] : memref<80x128xi32, #tpu.memory_space<hbm>> -> memref<40x128xi32, #tpu.memory_space<hbm>>
      %dma_start3A_234 = arith.constant 0 : i32
      %dma_start3A_235 = arith.constant 0 : i32
      %dma_start3A_236 = tpu.memref_slice %arg4[%arg1, %dma_start3A_234, %dma_start3A_235] : memref<16x80x128xi32, #tpu.memory_space<hbm>> -> memref<1x80x128xi32, #tpu.memory_space<hbm>>
      %dma_start3A_237 = tpu.memref_squeeze %dma_start3A_236 : memref<1x80x128xi32, #tpu.memory_space<hbm>> -> memref<80x128xi32, #tpu.memory_space<hbm>>
      %dma_start3A_238 = arith.constant 0 : i32
      %dma_start3A_239 = arith.constant 0 : i32
      %dma_start3A_240 = tpu.memref_slice %dma_start3A_237[%dma_start3A_238, %dma_start3A_239] : memref<80x128xi32, #tpu.memory_space<hbm>> -> memref<40x128xi32, #tpu.memory_space<hbm>>
      tpu.enqueue_dma source(%dma_start3A_240 : memref<40x128xi32, #tpu.memory_space<hbm>>) target(%arg7 : memref<40x128xi32, #tpu.memory_space<vmem>>) target_semaphore(%run_scoped3A : memref<!tpu.dma_semaphore, #tpu.memory_space<semaphore_mem>>)
      %dma_wait3A = arith.constant 0 : i32
      %dma_wait3A_241 = arith.constant 0 : i32
      %dma_wait3A_242 = tpu.memref_slice %arg4[%arg1, %dma_wait3A, %dma_wait3A_241] : memref<16x80x128xi32, #tpu.memory_space<hbm>> -> memref<1x80x128xi32, #tpu.memory_space<hbm>>
      %dma_wait3A_243 = tpu.memref_squeeze %dma_wait3A_242 : memref<1x80x128xi32, #tpu.memory_space<hbm>> -> memref<80x128xi32, #tpu.memory_space<hbm>>
      %dma_wait3A_244 = arith.constant 0 : i32
      %dma_wait3A_245 = arith.constant 0 : i32
      %dma_wait3A_246 = tpu.memref_slice %dma_wait3A_243[%dma_wait3A_244, %dma_wait3A_245] : memref<80x128xi32, #tpu.memory_space<hbm>> -> memref<40x128xi32, #tpu.memory_space<hbm>>
      %dma_wait3A_247 = arith.constant 0 : i32
      %dma_wait3A_248 = arith.constant 0 : i32
      %dma_wait3A_249 = tpu.memref_slice %arg4[%arg1, %dma_wait3A_247, %dma_wait3A_248] : memref<16x80x128xi32, #tpu.memory_space<hbm>> -> memref<1x80x128xi32, #tpu.memory_space<hbm>>
      %dma_wait3A_250 = tpu.memref_squeeze %dma_wait3A_249 : memref<1x80x128xi32, #tpu.memory_space<hbm>> -> memref<80x128xi32, #tpu.memory_space<hbm>>
      %dma_wait3A_251 = arith.constant 0 : i32
      %dma_wait3A_252 = arith.constant 0 : i32
      %dma_wait3A_253 = tpu.memref_slice %dma_wait3A_250[%dma_wait3A_251, %dma_wait3A_252] : memref<80x128xi32, #tpu.memory_space<hbm>> -> memref<40x128xi32, #tpu.memory_space<hbm>>
      tpu.wait_dma2 semaphore(%run_scoped3A : memref<!tpu.dma_semaphore, #tpu.memory_space<semaphore_mem>>) src(%dma_wait3A_253 : memref<40x128xi32, #tpu.memory_space<hbm>>) dst(%arg7 : memref<40x128xi32, #tpu.memory_space<vmem>>)
      tpu.yield
    }) : () -> ()
    %dma_start3A = arith.constant 0 : i32
    %dma_start3A_21 = arith.constant 0 : i32
    %dma_start3A_22 = arith.constant 0 : i32
    %dma_start3A_23 = tpu.memref_slice %arg8[%dma_start3A_21, %dma_start3A_22] : memref<128x128xf32, #tpu.memory_space<vmem>> -> memref<32x128xf32, #tpu.memory_space<vmem>>
    %dma_start3A_24 = arith.constant 0 : i32
    %dma_start3A_25 = tpu.memref_slice %arg6[%dma_start3A, %dma_start3A_24] : memref<40x128xi32, #tpu.memory_space<vmem>> -> memref<1x128xi32, #tpu.memory_space<vmem>>
    %dma_start3A_26 = tpu.memref_squeeze %dma_start3A_25 : memref<1x128xi32, #tpu.memory_space<vmem>> -> memref<128xi32, #tpu.memory_space<vmem>>
    %dma_start3A_27 = arith.constant 0 : i32
    %dma_start3A_28 = tpu.memref_slice %dma_start3A_26[%dma_start3A_27] : memref<128xi32, #tpu.memory_space<vmem>> -> memref<32xi32, #tpu.memory_space<vmem>>
    %dma_start3A_29 = arith.constant 0 : i32
    %dma_start3A_30 = arith.constant 0 : i32
    %dma_start3A_31 = tpu.memref_slice %arg2[%dma_start3A_29, %dma_start3A_30] : memref<20000x128xf32, #tpu.memory_space<hbm>> -> memref<20000x128xf32, #tpu.memory_space<hbm>>
    tpu.enqueue_indirect_dma source(%dma_start3A_31 : memref<20000x128xf32, #tpu.memory_space<hbm>>) target(%dma_start3A_23 : memref<32x128xf32, #tpu.memory_space<vmem>>) offsets(%dma_start3A_28 : memref<32xi32, #tpu.memory_space<vmem>>) semaphore(%arg11 : memref<!tpu.dma_semaphore, #tpu.memory_space<semaphore_mem>>)
    %dma_start3A_32 = arith.constant 0 : i32
    %dma_start3A_33 = arith.constant 32 : i32
    %dma_start3A_34 = arith.constant 0 : i32
    %dma_start3A_35 = tpu.memref_slice %arg8[%dma_start3A_33, %dma_start3A_34] : memref<128x128xf32, #tpu.memory_space<vmem>> -> memref<32x128xf32, #tpu.memory_space<vmem>>
    %dma_start3A_36 = arith.constant 0 : i32
    %dma_start3A_37 = tpu.memref_slice %arg6[%dma_start3A_32, %dma_start3A_36] : memref<40x128xi32, #tpu.memory_space<vmem>> -> memref<1x128xi32, #tpu.memory_space<vmem>>
    %dma_start3A_38 = tpu.memref_squeeze %dma_start3A_37 : memref<1x128xi32, #tpu.memory_space<vmem>> -> memref<128xi32, #tpu.memory_space<vmem>>
    %dma_start3A_39 = arith.constant 32 : i32
    %dma_start3A_40 = tpu.memref_slice %dma_start3A_38[%dma_start3A_39] : memref<128xi32, #tpu.memory_space<vmem>> -> memref<32xi32, #tpu.memory_space<vmem>>
    %dma_start3A_41 = arith.constant 0 : i32
    %dma_start3A_42 = arith.constant 0 : i32
    %dma_start3A_43 = tpu.memref_slice %arg2[%dma_start3A_41, %dma_start3A_42] : memref<20000x128xf32, #tpu.memory_space<hbm>> -> memref<20000x128xf32, #tpu.memory_space<hbm>>
    tpu.enqueue_indirect_dma source(%dma_start3A_43 : memref<20000x128xf32, #tpu.memory_space<hbm>>) target(%dma_start3A_35 : memref<32x128xf32, #tpu.memory_space<vmem>>) offsets(%dma_start3A_40 : memref<32xi32, #tpu.memory_space<vmem>>) semaphore(%arg11 : memref<!tpu.dma_semaphore, #tpu.memory_space<semaphore_mem>>)
    %dma_start3A_44 = arith.constant 0 : i32
    %dma_start3A_45 = arith.constant 64 : i32
    %dma_start3A_46 = arith.constant 0 : i32
    %dma_start3A_47 = tpu.memref_slice %arg8[%dma_start3A_45, %dma_start3A_46] : memref<128x128xf32, #tpu.memory_space<vmem>> -> memref<32x128xf32, #tpu.memory_space<vmem>>
    %dma_start3A_48 = arith.constant 0 : i32
    %dma_start3A_49 = tpu.memref_slice %arg6[%dma_start3A_44, %dma_start3A_48] : memref<40x128xi32, #tpu.memory_space<vmem>> -> memref<1x128xi32, #tpu.memory_space<vmem>>
    %dma_start3A_50 = tpu.memref_squeeze %dma_start3A_49 : memref<1x128xi32, #tpu.memory_space<vmem>> -> memref<128xi32, #tpu.memory_space<vmem>>
    %dma_start3A_51 = arith.constant 64 : i32
    %dma_start3A_52 = tpu.memref_slice %dma_start3A_50[%dma_start3A_51] : memref<128xi32, #tpu.memory_space<vmem>> -> memref<32xi32, #tpu.memory_space<vmem>>
    %dma_start3A_53 = arith.constant 0 : i32
    %dma_start3A_54 = arith.constant 0 : i32
    %dma_start3A_55 = tpu.memref_slice %arg2[%dma_start3A_53, %dma_start3A_54] : memref<20000x128xf32, #tpu.memory_space<hbm>> -> memref<20000x128xf32, #tpu.memory_space<hbm>>
    tpu.enqueue_indirect_dma source(%dma_start3A_55 : memref<20000x128xf32, #tpu.memory_space<hbm>>) target(%dma_start3A_47 : memref<32x128xf32, #tpu.memory_space<vmem>>) offsets(%dma_start3A_52 : memref<32xi32, #tpu.memory_space<vmem>>) semaphore(%arg11 : memref<!tpu.dma_semaphore, #tpu.memory_space<semaphore_mem>>)
    %dma_start3A_56 = arith.constant 0 : i32
    %dma_start3A_57 = arith.constant 96 : i32
    %dma_start3A_58 = arith.constant 0 : i32
    %dma_start3A_59 = tpu.memref_slice %arg8[%dma_start3A_57, %dma_start3A_58] : memref<128x128xf32, #tpu.memory_space<vmem>> -> memref<32x128xf32, #tpu.memory_space<vmem>>
    %dma_start3A_60 = arith.constant 0 : i32
    %dma_start3A_61 = tpu.memref_slice %arg6[%dma_start3A_56, %dma_start3A_60] : memref<40x128xi32, #tpu.memory_space<vmem>> -> memref<1x128xi32, #tpu.memory_space<vmem>>
    %dma_start3A_62 = tpu.memref_squeeze %dma_start3A_61 : memref<1x128xi32, #tpu.memory_space<vmem>> -> memref<128xi32, #tpu.memory_space<vmem>>
    %dma_start3A_63 = arith.constant 96 : i32
    %dma_start3A_64 = tpu.memref_slice %dma_start3A_62[%dma_start3A_63] : memref<128xi32, #tpu.memory_space<vmem>> -> memref<32xi32, #tpu.memory_space<vmem>>
    %dma_start3A_65 = arith.constant 0 : i32
    %dma_start3A_66 = arith.constant 0 : i32
    %dma_start3A_67 = tpu.memref_slice %arg2[%dma_start3A_65, %dma_start3A_66] : memref<20000x128xf32, #tpu.memory_space<hbm>> -> memref<20000x128xf32, #tpu.memory_space<hbm>>
    tpu.enqueue_indirect_dma source(%dma_start3A_67 : memref<20000x128xf32, #tpu.memory_space<hbm>>) target(%dma_start3A_59 : memref<32x128xf32, #tpu.memory_space<vmem>>) offsets(%dma_start3A_64 : memref<32xi32, #tpu.memory_space<vmem>>) semaphore(%arg11 : memref<!tpu.dma_semaphore, #tpu.memory_space<semaphore_mem>>)
    %dma_start3A_68 = arith.constant 1 : i32
    %dma_start3A_69 = arith.constant 0 : i32
    %dma_start3A_70 = arith.constant 0 : i32
    %dma_start3A_71 = tpu.memref_slice %arg9[%dma_start3A_69, %dma_start3A_70] : memref<128x128xf32, #tpu.memory_space<vmem>> -> memref<32x128xf32, #tpu.memory_space<vmem>>
    %dma_start3A_72 = arith.constant 0 : i32
    %dma_start3A_73 = tpu.memref_slice %arg6[%dma_start3A_68, %dma_start3A_72] : memref<40x128xi32, #tpu.memory_space<vmem>> -> memref<1x128xi32, #tpu.memory_space<vmem>>
    %dma_start3A_74 = tpu.memref_squeeze %dma_start3A_73 : memref<1x128xi32, #tpu.memory_space<vmem>> -> memref<128xi32, #tpu.memory_space<vmem>>
    %dma_start3A_75 = arith.constant 0 : i32
    %dma_start3A_76 = tpu.memref_slice %dma_start3A_74[%dma_start3A_75] : memref<128xi32, #tpu.memory_space<vmem>> -> memref<32xi32, #tpu.memory_space<vmem>>
    %dma_start3A_77 = arith.constant 0 : i32
    %dma_start3A_78 = arith.constant 0 : i32
    %dma_start3A_79 = tpu.memref_slice %arg2[%dma_start3A_77, %dma_start3A_78] : memref<20000x128xf32, #tpu.memory_space<hbm>> -> memref<20000x128xf32, #tpu.memory_space<hbm>>
    tpu.enqueue_indirect_dma source(%dma_start3A_79 : memref<20000x128xf32, #tpu.memory_space<hbm>>) target(%dma_start3A_71 : memref<32x128xf32, #tpu.memory_space<vmem>>) offsets(%dma_start3A_76 : memref<32xi32, #tpu.memory_space<vmem>>) semaphore(%arg12 : memref<!tpu.dma_semaphore, #tpu.memory_space<semaphore_mem>>)
    %dma_start3A_80 = arith.constant 1 : i32
    %dma_start3A_81 = arith.constant 32 : i32
    %dma_start3A_82 = arith.constant 0 : i32
    %dma_start3A_83 = tpu.memref_slice %arg9[%dma_start3A_81, %dma_start3A_82] : memref<128x128xf32, #tpu.memory_space<vmem>> -> memref<32x128xf32, #tpu.memory_space<vmem>>
    %dma_start3A_84 = arith.constant 0 : i32
    %dma_start3A_85 = tpu.memref_slice %arg6[%dma_start3A_80, %dma_start3A_84] : memref<40x128xi32, #tpu.memory_space<vmem>> -> memref<1x128xi32, #tpu.memory_space<vmem>>
    %dma_start3A_86 = tpu.memref_squeeze %dma_start3A_85 : memref<1x128xi32, #tpu.memory_space<vmem>> -> memref<128xi32, #tpu.memory_space<vmem>>
    %dma_start3A_87 = arith.constant 32 : i32
    %dma_start3A_88 = tpu.memref_slice %dma_start3A_86[%dma_start3A_87] : memref<128xi32, #tpu.memory_space<vmem>> -> memref<32xi32, #tpu.memory_space<vmem>>
    %dma_start3A_89 = arith.constant 0 : i32
    %dma_start3A_90 = arith.constant 0 : i32
    %dma_start3A_91 = tpu.memref_slice %arg2[%dma_start3A_89, %dma_start3A_90] : memref<20000x128xf32, #tpu.memory_space<hbm>> -> memref<20000x128xf32, #tpu.memory_space<hbm>>
    tpu.enqueue_indirect_dma source(%dma_start3A_91 : memref<20000x128xf32, #tpu.memory_space<hbm>>) target(%dma_start3A_83 : memref<32x128xf32, #tpu.memory_space<vmem>>) offsets(%dma_start3A_88 : memref<32xi32, #tpu.memory_space<vmem>>) semaphore(%arg12 : memref<!tpu.dma_semaphore, #tpu.memory_space<semaphore_mem>>)
    %dma_start3A_92 = arith.constant 1 : i32
    %dma_start3A_93 = arith.constant 64 : i32
    %dma_start3A_94 = arith.constant 0 : i32
    %dma_start3A_95 = tpu.memref_slice %arg9[%dma_start3A_93, %dma_start3A_94] : memref<128x128xf32, #tpu.memory_space<vmem>> -> memref<32x128xf32, #tpu.memory_space<vmem>>
    %dma_start3A_96 = arith.constant 0 : i32
    %dma_start3A_97 = tpu.memref_slice %arg6[%dma_start3A_92, %dma_start3A_96] : memref<40x128xi32, #tpu.memory_space<vmem>> -> memref<1x128xi32, #tpu.memory_space<vmem>>
    %dma_start3A_98 = tpu.memref_squeeze %dma_start3A_97 : memref<1x128xi32, #tpu.memory_space<vmem>> -> memref<128xi32, #tpu.memory_space<vmem>>
    %dma_start3A_99 = arith.constant 64 : i32
    %dma_start3A_100 = tpu.memref_slice %dma_start3A_98[%dma_start3A_99] : memref<128xi32, #tpu.memory_space<vmem>> -> memref<32xi32, #tpu.memory_space<vmem>>
    %dma_start3A_101 = arith.constant 0 : i32
    %dma_start3A_102 = arith.constant 0 : i32
    %dma_start3A_103 = tpu.memref_slice %arg2[%dma_start3A_101, %dma_start3A_102] : memref<20000x128xf32, #tpu.memory_space<hbm>> -> memref<20000x128xf32, #tpu.memory_space<hbm>>
    tpu.enqueue_indirect_dma source(%dma_start3A_103 : memref<20000x128xf32, #tpu.memory_space<hbm>>) target(%dma_start3A_95 : memref<32x128xf32, #tpu.memory_space<vmem>>) offsets(%dma_start3A_100 : memref<32xi32, #tpu.memory_space<vmem>>) semaphore(%arg12 : memref<!tpu.dma_semaphore, #tpu.memory_space<semaphore_mem>>)
    %dma_start3A_104 = arith.constant 1 : i32
    %dma_start3A_105 = arith.constant 96 : i32
    %dma_start3A_106 = arith.constant 0 : i32
    %dma_start3A_107 = tpu.memref_slice %arg9[%dma_start3A_105, %dma_start3A_106] : memref<128x128xf32, #tpu.memory_space<vmem>> -> memref<32x128xf32, #tpu.memory_space<vmem>>
    %dma_start3A_108 = arith.constant 0 : i32
    %dma_start3A_109 = tpu.memref_slice %arg6[%dma_start3A_104, %dma_start3A_108] : memref<40x128xi32, #tpu.memory_space<vmem>> -> memref<1x128xi32, #tpu.memory_space<vmem>>
    %dma_start3A_110 = tpu.memref_squeeze %dma_start3A_109 : memref<1x128xi32, #tpu.memory_space<vmem>> -> memref<128xi32, #tpu.memory_space<vmem>>
    %dma_start3A_111 = arith.constant 96 : i32
    %dma_start3A_112 = tpu.memref_slice %dma_start3A_110[%dma_start3A_111] : memref<128xi32, #tpu.memory_space<vmem>> -> memref<32xi32, #tpu.memory_space<vmem>>
    %dma_start3A_113 = arith.constant 0 : i32
    %dma_start3A_114 = arith.constant 0 : i32
    %dma_start3A_115 = tpu.memref_slice %arg2[%dma_start3A_113, %dma_start3A_114] : memref<20000x128xf32, #tpu.memory_space<hbm>> -> memref<20000x128xf32, #tpu.memory_space<hbm>>
    tpu.enqueue_indirect_dma source(%dma_start3A_115 : memref<20000x128xf32, #tpu.memory_space<hbm>>) target(%dma_start3A_107 : memref<32x128xf32, #tpu.memory_space<vmem>>) offsets(%dma_start3A_112 : memref<32xi32, #tpu.memory_space<vmem>>) semaphore(%arg12 : memref<!tpu.dma_semaphore, #tpu.memory_space<semaphore_mem>>)
    %scan3A_116 = arith.constant 0 : i32
    %scan3A_117 = arith.constant 20 : i32
    %scan3A_118 = arith.addi %scan3A_116, %scan3A_117 : i32
    %scan3A_119 = arith.constant 1 : i32
    scf.for %scan3A_227 = %scan3A_116 to %scan3A_118 step %scan3A_119  : i32 {
      %mul3A_228 = arith.constant 1 : i32
      %mul3A_229 = arith.muli %scan3A_227, %mul3A_228 : i32
      %add3A_230 = arith.constant 0 : i32
      %add3A_231 = arith.addi %add3A_230, %mul3A_229 : i32
      %mul3A_232 = arith.constant 2 : i32
      %mul3A_233 = arith.muli %add3A_231, %mul3A_232 : i32
      %add3A_234 = arith.constant 0 : i32
      %add3A_235 = arith.addi %mul3A_233, %add3A_234 : i32
      %dma_wait3A = arith.constant 0 : i32
      %dma_wait3A_236 = tpu.memref_slice %arg6[%add3A_235, %dma_wait3A] : memref<40x128xi32, #tpu.memory_space<vmem>> -> memref<1x128xi32, #tpu.memory_space<vmem>>
      %dma_wait3A_237 = tpu.memref_squeeze %dma_wait3A_236 : memref<1x128xi32, #tpu.memory_space<vmem>> -> memref<128xi32, #tpu.memory_space<vmem>>
      %dma_wait3A_238 = arith.constant 0 : i32
      %dma_wait3A_239 = arith.constant 0 : i32
      %dma_wait3A_240 = tpu.memref_slice %arg2[%dma_wait3A_238, %dma_wait3A_239] : memref<20000x128xf32, #tpu.memory_space<hbm>> -> memref<20000x128xf32, #tpu.memory_space<hbm>>
      tpu.wait_indirect_dma semaphore(%arg11 : memref<!tpu.dma_semaphore, #tpu.memory_space<semaphore_mem>>) src(%dma_wait3A_240 : memref<20000x128xf32, #tpu.memory_space<hbm>>) dst(%arg8 : memref<128x128xf32, #tpu.memory_space<vmem>>)
      "tpu.region"() ({
        %run_scoped3A = tpu.sem_alloc : memref<!tpu.dma_semaphore, #tpu.memory_space<semaphore_mem>>
        %dma_start3A_262 = arith.constant 0 : i32
        %dma_start3A_263 = tpu.memref_slice %arg7[%add3A_235, %dma_start3A_262] : memref<40x128xi32, #tpu.memory_space<vmem>> -> memref<1x128xi32, #tpu.memory_space<vmem>>
        %dma_start3A_264 = tpu.memref_squeeze %dma_start3A_263 : memref<1x128xi32, #tpu.memory_space<vmem>> -> memref<128xi32, #tpu.memory_space<vmem>>
        %dma_start3A_265 = arith.constant 0 : i32
        %dma_start3A_266 = arith.constant 0 : i32
        %dma_start3A_267 = tpu.memref_slice %arg10[%dma_start3A_265, %dma_start3A_266] : memref<10112x128xf32, #tpu.memory_space<vmem_shared>> -> memref<10112x128xf32, #tpu.memory_space<vmem_shared>>
        tpu.enqueue_indirect_dma source(%arg8 : memref<128x128xf32, #tpu.memory_space<vmem>>) target(%dma_start3A_267 : memref<10112x128xf32, #tpu.memory_space<vmem_shared>>) offsets(%dma_start3A_264 : memref<128xi32, #tpu.memory_space<vmem>>) semaphore(%run_scoped3A : memref<!tpu.dma_semaphore, #tpu.memory_space<semaphore_mem>>) {add = true}
        %dma_wait3A_268 = arith.constant 0 : i32
        %dma_wait3A_269 = tpu.memref_slice %arg7[%add3A_235, %dma_wait3A_268] : memref<40x128xi32, #tpu.memory_space<vmem>> -> memref<1x128xi32, #tpu.memory_space<vmem>>
        %dma_wait3A_270 = tpu.memref_squeeze %dma_wait3A_269 : memref<1x128xi32, #tpu.memory_space<vmem>> -> memref<128xi32, #tpu.memory_space<vmem>>
        %dma_wait3A_271 = arith.constant 0 : i32
        %dma_wait3A_272 = arith.constant 0 : i32
        %dma_wait3A_273 = tpu.memref_slice %arg10[%dma_wait3A_271, %dma_wait3A_272] : memref<10112x128xf32, #tpu.memory_space<vmem_shared>> -> memref<10112x128xf32, #tpu.memory_space<vmem_shared>>
        tpu.wait_indirect_dma semaphore(%run_scoped3A : memref<!tpu.dma_semaphore, #tpu.memory_space<semaphore_mem>>) src(%arg8 : memref<128x128xf32, #tpu.memory_space<vmem>>) dst(%dma_wait3A_273 : memref<10112x128xf32, #tpu.memory_space<vmem_shared>>)
        tpu.yield
      }) : () -> ()
      %add3A_241 = arith.constant 2 : i32
      %add3A_242 = arith.addi %add3A_235, %add3A_241 : i32
      %lt3A = arith.constant 40 : i32
      %lt3A_243 = arith.cmpi slt, %add3A_242, %lt3A : i32
      %convert_element_type3A = arith.extui %lt3A_243 : i1 to i32
      %cond3A = arith.constant 0 : i32
      %cond3A_244 = arith.cmpi ne, %convert_element_type3A, %cond3A : i32
      scf.if %cond3A_244 {
        %dma_start3A_262 = arith.constant 0 : i32
        %dma_start3A_263 = arith.constant 0 : i32
        %dma_start3A_264 = tpu.memref_slice %arg8[%dma_start3A_262, %dma_start3A_263] : memref<128x128xf32, #tpu.memory_space<vmem>> -> memref<32x128xf32, #tpu.memory_space<vmem>>
        %dma_start3A_265 = arith.constant 0 : i32
        %dma_start3A_266 = tpu.memref_slice %arg6[%add3A_242, %dma_start3A_265] : memref<40x128xi32, #tpu.memory_space<vmem>> -> memref<1x128xi32, #tpu.memory_space<vmem>>
        %dma_start3A_267 = tpu.memref_squeeze %dma_start3A_266 : memref<1x128xi32, #tpu.memory_space<vmem>> -> memref<128xi32, #tpu.memory_space<vmem>>
        %dma_start3A_268 = arith.constant 0 : i32
        %dma_start3A_269 = tpu.memref_slice %dma_start3A_267[%dma_start3A_268] : memref<128xi32, #tpu.memory_space<vmem>> -> memref<32xi32, #tpu.memory_space<vmem>>
        %dma_start3A_270 = arith.constant 0 : i32
        %dma_start3A_271 = arith.constant 0 : i32
        %dma_start3A_272 = tpu.memref_slice %arg2[%dma_start3A_270, %dma_start3A_271] : memref<20000x128xf32, #tpu.memory_space<hbm>> -> memref<20000x128xf32, #tpu.memory_space<hbm>>
        tpu.enqueue_indirect_dma source(%dma_start3A_272 : memref<20000x128xf32, #tpu.memory_space<hbm>>) target(%dma_start3A_264 : memref<32x128xf32, #tpu.memory_space<vmem>>) offsets(%dma_start3A_269 : memref<32xi32, #tpu.memory_space<vmem>>) semaphore(%arg11 : memref<!tpu.dma_semaphore, #tpu.memory_space<semaphore_mem>>)
        %dma_start3A_273 = arith.constant 32 : i32
        %dma_start3A_274 = arith.constant 0 : i32
        %dma_start3A_275 = tpu.memref_slice %arg8[%dma_start3A_273, %dma_start3A_274] : memref<128x128xf32, #tpu.memory_space<vmem>> -> memref<32x128xf32, #tpu.memory_space<vmem>>
        %dma_start3A_276 = arith.constant 0 : i32
        %dma_start3A_277 = tpu.memref_slice %arg6[%add3A_242, %dma_start3A_276] : memref<40x128xi32, #tpu.memory_space<vmem>> -> memref<1x128xi32, #tpu.memory_space<vmem>>
        %dma_start3A_278 = tpu.memref_squeeze %dma_start3A_277 : memref<1x128xi32, #tpu.memory_space<vmem>> -> memref<128xi32, #tpu.memory_space<vmem>>
        %dma_start3A_279 = arith.constant 32 : i32
        %dma_start3A_280 = tpu.memref_slice %dma_start3A_278[%dma_start3A_279] : memref<128xi32, #tpu.memory_space<vmem>> -> memref<32xi32, #tpu.memory_space<vmem>>
        %dma_start3A_281 = arith.constant 0 : i32
        %dma_start3A_282 = arith.constant 0 : i32
        %dma_start3A_283 = tpu.memref_slice %arg2[%dma_start3A_281, %dma_start3A_282] : memref<20000x128xf32, #tpu.memory_space<hbm>> -> memref<20000x128xf32, #tpu.memory_space<hbm>>
        tpu.enqueue_indirect_dma source(%dma_start3A_283 : memref<20000x128xf32, #tpu.memory_space<hbm>>) target(%dma_start3A_275 : memref<32x128xf32, #tpu.memory_space<vmem>>) offsets(%dma_start3A_280 : memref<32xi32, #tpu.memory_space<vmem>>) semaphore(%arg11 : memref<!tpu.dma_semaphore, #tpu.memory_space<semaphore_mem>>)
        %dma_start3A_284 = arith.constant 64 : i32
        %dma_start3A_285 = arith.constant 0 : i32
        %dma_start3A_286 = tpu.memref_slice %arg8[%dma_start3A_284, %dma_start3A_285] : memref<128x128xf32, #tpu.memory_space<vmem>> -> memref<32x128xf32, #tpu.memory_space<vmem>>
        %dma_start3A_287 = arith.constant 0 : i32
        %dma_start3A_288 = tpu.memref_slice %arg6[%add3A_242, %dma_start3A_287] : memref<40x128xi32, #tpu.memory_space<vmem>> -> memref<1x128xi32, #tpu.memory_space<vmem>>
        %dma_start3A_289 = tpu.memref_squeeze %dma_start3A_288 : memref<1x128xi32, #tpu.memory_space<vmem>> -> memref<128xi32, #tpu.memory_space<vmem>>
        %dma_start3A_290 = arith.constant 64 : i32
        %dma_start3A_291 = tpu.memref_slice %dma_start3A_289[%dma_start3A_290] : memref<128xi32, #tpu.memory_space<vmem>> -> memref<32xi32, #tpu.memory_space<vmem>>
        %dma_start3A_292 = arith.constant 0 : i32
        %dma_start3A_293 = arith.constant 0 : i32
        %dma_start3A_294 = tpu.memref_slice %arg2[%dma_start3A_292, %dma_start3A_293] : memref<20000x128xf32, #tpu.memory_space<hbm>> -> memref<20000x128xf32, #tpu.memory_space<hbm>>
        tpu.enqueue_indirect_dma source(%dma_start3A_294 : memref<20000x128xf32, #tpu.memory_space<hbm>>) target(%dma_start3A_286 : memref<32x128xf32, #tpu.memory_space<vmem>>) offsets(%dma_start3A_291 : memref<32xi32, #tpu.memory_space<vmem>>) semaphore(%arg11 : memref<!tpu.dma_semaphore, #tpu.memory_space<semaphore_mem>>)
        %dma_start3A_295 = arith.constant 96 : i32
        %dma_start3A_296 = arith.constant 0 : i32
        %dma_start3A_297 = tpu.memref_slice %arg8[%dma_start3A_295, %dma_start3A_296] : memref<128x128xf32, #tpu.memory_space<vmem>> -> memref<32x128xf32, #tpu.memory_space<vmem>>
        %dma_start3A_298 = arith.constant 0 : i32
        %dma_start3A_299 = tpu.memref_slice %arg6[%add3A_242, %dma_start3A_298] : memref<40x128xi32, #tpu.memory_space<vmem>> -> memref<1x128xi32, #tpu.memory_space<vmem>>
        %dma_start3A_300 = tpu.memref_squeeze %dma_start3A_299 : memref<1x128xi32, #tpu.memory_space<vmem>> -> memref<128xi32, #tpu.memory_space<vmem>>
        %dma_start3A_301 = arith.constant 96 : i32
        %dma_start3A_302 = tpu.memref_slice %dma_start3A_300[%dma_start3A_301] : memref<128xi32, #tpu.memory_space<vmem>> -> memref<32xi32, #tpu.memory_space<vmem>>
        %dma_start3A_303 = arith.constant 0 : i32
        %dma_start3A_304 = arith.constant 0 : i32
        %dma_start3A_305 = tpu.memref_slice %arg2[%dma_start3A_303, %dma_start3A_304] : memref<20000x128xf32, #tpu.memory_space<hbm>> -> memref<20000x128xf32, #tpu.memory_space<hbm>>
        tpu.enqueue_indirect_dma source(%dma_start3A_305 : memref<20000x128xf32, #tpu.memory_space<hbm>>) target(%dma_start3A_297 : memref<32x128xf32, #tpu.memory_space<vmem>>) offsets(%dma_start3A_302 : memref<32xi32, #tpu.memory_space<vmem>>) semaphore(%arg11 : memref<!tpu.dma_semaphore, #tpu.memory_space<semaphore_mem>>)
      } else {
      }
      %mul3A_245 = arith.constant 2 : i32
      %mul3A_246 = arith.muli %add3A_231, %mul3A_245 : i32
      %add3A_247 = arith.constant 1 : i32
      %add3A_248 = arith.addi %mul3A_246, %add3A_247 : i32
      %dma_wait3A_249 = arith.constant 0 : i32
      %dma_wait3A_250 = tpu.memref_slice %arg6[%add3A_248, %dma_wait3A_249] : memref<40x128xi32, #tpu.memory_space<vmem>> -> memref<1x128xi32, #tpu.memory_space<vmem>>
      %dma_wait3A_251 = tpu.memref_squeeze %dma_wait3A_250 : memref<1x128xi32, #tpu.memory_space<vmem>> -> memref<128xi32, #tpu.memory_space<vmem>>
      %dma_wait3A_252 = arith.constant 0 : i32
      %dma_wait3A_253 = arith.constant 0 : i32
      %dma_wait3A_254 = tpu.memref_slice %arg2[%dma_wait3A_252, %dma_wait3A_253] : memref<20000x128xf32, #tpu.memory_space<hbm>> -> memref<20000x128xf32, #tpu.memory_space<hbm>>
      tpu.wait_indirect_dma semaphore(%arg12 : memref<!tpu.dma_semaphore, #tpu.memory_space<semaphore_mem>>) src(%dma_wait3A_254 : memref<20000x128xf32, #tpu.memory_space<hbm>>) dst(%arg9 : memref<128x128xf32, #tpu.memory_space<vmem>>)
      "tpu.region"() ({
        %run_scoped3A = tpu.sem_alloc : memref<!tpu.dma_semaphore, #tpu.memory_space<semaphore_mem>>
        %dma_start3A_262 = arith.constant 0 : i32
        %dma_start3A_263 = tpu.memref_slice %arg7[%add3A_248, %dma_start3A_262] : memref<40x128xi32, #tpu.memory_space<vmem>> -> memref<1x128xi32, #tpu.memory_space<vmem>>
        %dma_start3A_264 = tpu.memref_squeeze %dma_start3A_263 : memref<1x128xi32, #tpu.memory_space<vmem>> -> memref<128xi32, #tpu.memory_space<vmem>>
        %dma_start3A_265 = arith.constant 0 : i32
        %dma_start3A_266 = arith.constant 0 : i32
        %dma_start3A_267 = tpu.memref_slice %arg10[%dma_start3A_265, %dma_start3A_266] : memref<10112x128xf32, #tpu.memory_space<vmem_shared>> -> memref<10112x128xf32, #tpu.memory_space<vmem_shared>>
        tpu.enqueue_indirect_dma source(%arg9 : memref<128x128xf32, #tpu.memory_space<vmem>>) target(%dma_start3A_267 : memref<10112x128xf32, #tpu.memory_space<vmem_shared>>) offsets(%dma_start3A_264 : memref<128xi32, #tpu.memory_space<vmem>>) semaphore(%run_scoped3A : memref<!tpu.dma_semaphore, #tpu.memory_space<semaphore_mem>>) {add = true}
        %dma_wait3A_268 = arith.constant 0 : i32
        %dma_wait3A_269 = tpu.memref_slice %arg7[%add3A_248, %dma_wait3A_268] : memref<40x128xi32, #tpu.memory_space<vmem>> -> memref<1x128xi32, #tpu.memory_space<vmem>>
        %dma_wait3A_270 = tpu.memref_squeeze %dma_wait3A_269 : memref<1x128xi32, #tpu.memory_space<vmem>> -> memref<128xi32, #tpu.memory_space<vmem>>
        %dma_wait3A_271 = arith.constant 0 : i32
        %dma_wait3A_272 = arith.constant 0 : i32
        %dma_wait3A_273 = tpu.memref_slice %arg10[%dma_wait3A_271, %dma_wait3A_272] : memref<10112x128xf32, #tpu.memory_space<vmem_shared>> -> memref<10112x128xf32, #tpu.memory_space<vmem_shared>>
        tpu.wait_indirect_dma semaphore(%run_scoped3A : memref<!tpu.dma_semaphore, #tpu.memory_space<semaphore_mem>>) src(%arg9 : memref<128x128xf32, #tpu.memory_space<vmem>>) dst(%dma_wait3A_273 : memref<10112x128xf32, #tpu.memory_space<vmem_shared>>)
        tpu.yield
      }) : () -> ()
      %add3A_255 = arith.constant 2 : i32
      %add3A_256 = arith.addi %add3A_248, %add3A_255 : i32
      %lt3A_257 = arith.constant 40 : i32
      %lt3A_258 = arith.cmpi slt, %add3A_256, %lt3A_257 : i32
      %convert_element_type3A_259 = arith.extui %lt3A_258 : i1 to i32
      %cond3A_260 = arith.constant 0 : i32
      %cond3A_261 = arith.cmpi ne, %convert_element_type3A_259, %cond3A_260 : i32
      scf.if %cond3A_261 {
        %dma_start3A_262 = arith.constant 0 : i32
        %dma_start3A_263 = arith.constant 0 : i32
        %dma_start3A_264 = tpu.memref_slice %arg9[%dma_start3A_262, %dma_start3A_263] : memref<128x128xf32, #tpu.memory_space<vmem>> -> memref<32x128xf32, #tpu.memory_space<vmem>>
        %dma_start3A_265 = arith.constant 0 : i32
        %dma_start3A_266 = tpu.memref_slice %arg6[%add3A_256, %dma_start3A_265] : memref<40x128xi32, #tpu.memory_space<vmem>> -> memref<1x128xi32, #tpu.memory_space<vmem>>
        %dma_start3A_267 = tpu.memref_squeeze %dma_start3A_266 : memref<1x128xi32, #tpu.memory_space<vmem>> -> memref<128xi32, #tpu.memory_space<vmem>>
        %dma_start3A_268 = arith.constant 0 : i32
        %dma_start3A_269 = tpu.memref_slice %dma_start3A_267[%dma_start3A_268] : memref<128xi32, #tpu.memory_space<vmem>> -> memref<32xi32, #tpu.memory_space<vmem>>
        %dma_start3A_270 = arith.constant 0 : i32
        %dma_start3A_271 = arith.constant 0 : i32
        %dma_start3A_272 = tpu.memref_slice %arg2[%dma_start3A_270, %dma_start3A_271] : memref<20000x128xf32, #tpu.memory_space<hbm>> -> memref<20000x128xf32, #tpu.memory_space<hbm>>
        tpu.enqueue_indirect_dma source(%dma_start3A_272 : memref<20000x128xf32, #tpu.memory_space<hbm>>) target(%dma_start3A_264 : memref<32x128xf32, #tpu.memory_space<vmem>>) offsets(%dma_start3A_269 : memref<32xi32, #tpu.memory_space<vmem>>) semaphore(%arg12 : memref<!tpu.dma_semaphore, #tpu.memory_space<semaphore_mem>>)
        %dma_start3A_273 = arith.constant 32 : i32
        %dma_start3A_274 = arith.constant 0 : i32
        %dma_start3A_275 = tpu.memref_slice %arg9[%dma_start3A_273, %dma_start3A_274] : memref<128x128xf32, #tpu.memory_space<vmem>> -> memref<32x128xf32, #tpu.memory_space<vmem>>
        %dma_start3A_276 = arith.constant 0 : i32
        %dma_start3A_277 = tpu.memref_slice %arg6[%add3A_256, %dma_start3A_276] : memref<40x128xi32, #tpu.memory_space<vmem>> -> memref<1x128xi32, #tpu.memory_space<vmem>>
        %dma_start3A_278 = tpu.memref_squeeze %dma_start3A_277 : memref<1x128xi32, #tpu.memory_space<vmem>> -> memref<128xi32, #tpu.memory_space<vmem>>
        %dma_start3A_279 = arith.constant 32 : i32
        %dma_start3A_280 = tpu.memref_slice %dma_start3A_278[%dma_start3A_279] : memref<128xi32, #tpu.memory_space<vmem>> -> memref<32xi32, #tpu.memory_space<vmem>>
        %dma_start3A_281 = arith.constant 0 : i32
        %dma_start3A_282 = arith.constant 0 : i32
        %dma_start3A_283 = tpu.memref_slice %arg2[%dma_start3A_281, %dma_start3A_282] : memref<20000x128xf32, #tpu.memory_space<hbm>> -> memref<20000x128xf32, #tpu.memory_space<hbm>>
        tpu.enqueue_indirect_dma source(%dma_start3A_283 : memref<20000x128xf32, #tpu.memory_space<hbm>>) target(%dma_start3A_275 : memref<32x128xf32, #tpu.memory_space<vmem>>) offsets(%dma_start3A_280 : memref<32xi32, #tpu.memory_space<vmem>>) semaphore(%arg12 : memref<!tpu.dma_semaphore, #tpu.memory_space<semaphore_mem>>)
        %dma_start3A_284 = arith.constant 64 : i32
        %dma_start3A_285 = arith.constant 0 : i32
        %dma_start3A_286 = tpu.memref_slice %arg9[%dma_start3A_284, %dma_start3A_285] : memref<128x128xf32, #tpu.memory_space<vmem>> -> memref<32x128xf32, #tpu.memory_space<vmem>>
        %dma_start3A_287 = arith.constant 0 : i32
        %dma_start3A_288 = tpu.memref_slice %arg6[%add3A_256, %dma_start3A_287] : memref<40x128xi32, #tpu.memory_space<vmem>> -> memref<1x128xi32, #tpu.memory_space<vmem>>
        %dma_start3A_289 = tpu.memref_squeeze %dma_start3A_288 : memref<1x128xi32, #tpu.memory_space<vmem>> -> memref<128xi32, #tpu.memory_space<vmem>>
        %dma_start3A_290 = arith.constant 64 : i32
        %dma_start3A_291 = tpu.memref_slice %dma_start3A_289[%dma_start3A_290] : memref<128xi32, #tpu.memory_space<vmem>> -> memref<32xi32, #tpu.memory_space<vmem>>
        %dma_start3A_292 = arith.constant 0 : i32
        %dma_start3A_293 = arith.constant 0 : i32
        %dma_start3A_294 = tpu.memref_slice %arg2[%dma_start3A_292, %dma_start3A_293] : memref<20000x128xf32, #tpu.memory_space<hbm>> -> memref<20000x128xf32, #tpu.memory_space<hbm>>
        tpu.enqueue_indirect_dma source(%dma_start3A_294 : memref<20000x128xf32, #tpu.memory_space<hbm>>) target(%dma_start3A_286 : memref<32x128xf32, #tpu.memory_space<vmem>>) offsets(%dma_start3A_291 : memref<32xi32, #tpu.memory_space<vmem>>) semaphore(%arg12 : memref<!tpu.dma_semaphore, #tpu.memory_space<semaphore_mem>>)
        %dma_start3A_295 = arith.constant 96 : i32
        %dma_start3A_296 = arith.constant 0 : i32
        %dma_start3A_297 = tpu.memref_slice %arg9[%dma_start3A_295, %dma_start3A_296] : memref<128x128xf32, #tpu.memory_space<vmem>> -> memref<32x128xf32, #tpu.memory_space<vmem>>
        %dma_start3A_298 = arith.constant 0 : i32
        %dma_start3A_299 = tpu.memref_slice %arg6[%add3A_256, %dma_start3A_298] : memref<40x128xi32, #tpu.memory_space<vmem>> -> memref<1x128xi32, #tpu.memory_space<vmem>>
        %dma_start3A_300 = tpu.memref_squeeze %dma_start3A_299 : memref<1x128xi32, #tpu.memory_space<vmem>> -> memref<128xi32, #tpu.memory_space<vmem>>
        %dma_start3A_301 = arith.constant 96 : i32
        %dma_start3A_302 = tpu.memref_slice %dma_start3A_300[%dma_start3A_301] : memref<128xi32, #tpu.memory_space<vmem>> -> memref<32xi32, #tpu.memory_space<vmem>>
        %dma_start3A_303 = arith.constant 0 : i32
        %dma_start3A_304 = arith.constant 0 : i32
        %dma_start3A_305 = tpu.memref_slice %arg2[%dma_start3A_303, %dma_start3A_304] : memref<20000x128xf32, #tpu.memory_space<hbm>> -> memref<20000x128xf32, #tpu.memory_space<hbm>>
        tpu.enqueue_indirect_dma source(%dma_start3A_305 : memref<20000x128xf32, #tpu.memory_space<hbm>>) target(%dma_start3A_297 : memref<32x128xf32, #tpu.memory_space<vmem>>) offsets(%dma_start3A_302 : memref<32xi32, #tpu.memory_space<vmem>>) semaphore(%arg12 : memref<!tpu.dma_semaphore, #tpu.memory_space<semaphore_mem>>)
      } else {
      }
    }
    %scan3A_120 = arith.constant 20 : i32
    %mul3A_121 = arith.constant 16 : i32
    %mul3A_122 = arith.muli %arg0, %mul3A_121 : i32
    %add3A_123 = arith.addi %mul3A_122, %arg1 : i32
    "tpu.region"() ({
      %run_scoped3A = tpu.sem_alloc : memref<!tpu.dma_semaphore, #tpu.memory_space<semaphore_mem>>
      %dma_start3A_227 = arith.constant 0 : i32
      %dma_start3A_228 = arith.constant 0 : i32
      %dma_start3A_229 = tpu.memref_slice %arg3[%add3A_123, %dma_start3A_227, %dma_start3A_228] : memref<32x80x128xi32, #tpu.memory_space<hbm>> -> memref<1x80x128xi32, #tpu.memory_space<hbm>>
      %dma_start3A_230 = tpu.memref_squeeze %dma_start3A_229 : memref<1x80x128xi32, #tpu.memory_space<hbm>> -> memref<80x128xi32, #tpu.memory_space<hbm>>
      %dma_start3A_231 = arith.constant 40 : i32
      %dma_start3A_232 = arith.constant 0 : i32
      %dma_start3A_233 = tpu.memref_slice %dma_start3A_230[%dma_start3A_231, %dma_start3A_232] : memref<80x128xi32, #tpu.memory_space<hbm>> -> memref<40x128xi32, #tpu.memory_space<hbm>>
      %dma_start3A_234 = arith.constant 0 : i32
      %dma_start3A_235 = arith.constant 0 : i32
      %dma_start3A_236 = tpu.memref_slice %arg3[%add3A_123, %dma_start3A_234, %dma_start3A_235] : memref<32x80x128xi32, #tpu.memory_space<hbm>> -> memref<1x80x128xi32, #tpu.memory_space<hbm>>
      %dma_start3A_237 = tpu.memref_squeeze %dma_start3A_236 : memref<1x80x128xi32, #tpu.memory_space<hbm>> -> memref<80x128xi32, #tpu.memory_space<hbm>>
      %dma_start3A_238 = arith.constant 40 : i32
      %dma_start3A_239 = arith.constant 0 : i32
      %dma_start3A_240 = tpu.memref_slice %dma_start3A_237[%dma_start3A_238, %dma_start3A_239] : memref<80x128xi32, #tpu.memory_space<hbm>> -> memref<40x128xi32, #tpu.memory_space<hbm>>
      tpu.enqueue_dma source(%dma_start3A_240 : memref<40x128xi32, #tpu.memory_space<hbm>>) target(%arg6 : memref<40x128xi32, #tpu.memory_space<vmem>>) target_semaphore(%run_scoped3A : memref<!tpu.dma_semaphore, #tpu.memory_space<semaphore_mem>>)
      %dma_wait3A = arith.constant 0 : i32
      %dma_wait3A_241 = arith.constant 0 : i32
      %dma_wait3A_242 = tpu.memref_slice %arg3[%add3A_123, %dma_wait3A, %dma_wait3A_241] : memref<32x80x128xi32, #tpu.memory_space<hbm>> -> memref<1x80x128xi32, #tpu.memory_space<hbm>>
      %dma_wait3A_243 = tpu.memref_squeeze %dma_wait3A_242 : memref<1x80x128xi32, #tpu.memory_space<hbm>> -> memref<80x128xi32, #tpu.memory_space<hbm>>
      %dma_wait3A_244 = arith.constant 40 : i32
      %dma_wait3A_245 = arith.constant 0 : i32
      %dma_wait3A_246 = tpu.memref_slice %dma_wait3A_243[%dma_wait3A_244, %dma_wait3A_245] : memref<80x128xi32, #tpu.memory_space<hbm>> -> memref<40x128xi32, #tpu.memory_space<hbm>>
      %dma_wait3A_247 = arith.constant 0 : i32
      %dma_wait3A_248 = arith.constant 0 : i32
      %dma_wait3A_249 = tpu.memref_slice %arg3[%add3A_123, %dma_wait3A_247, %dma_wait3A_248] : memref<32x80x128xi32, #tpu.memory_space<hbm>> -> memref<1x80x128xi32, #tpu.memory_space<hbm>>
      %dma_wait3A_250 = tpu.memref_squeeze %dma_wait3A_249 : memref<1x80x128xi32, #tpu.memory_space<hbm>> -> memref<80x128xi32, #tpu.memory_space<hbm>>
      %dma_wait3A_251 = arith.constant 40 : i32
      %dma_wait3A_252 = arith.constant 0 : i32
      %dma_wait3A_253 = tpu.memref_slice %dma_wait3A_250[%dma_wait3A_251, %dma_wait3A_252] : memref<80x128xi32, #tpu.memory_space<hbm>> -> memref<40x128xi32, #tpu.memory_space<hbm>>
      tpu.wait_dma2 semaphore(%run_scoped3A : memref<!tpu.dma_semaphore, #tpu.memory_space<semaphore_mem>>) src(%dma_wait3A_253 : memref<40x128xi32, #tpu.memory_space<hbm>>) dst(%arg6 : memref<40x128xi32, #tpu.memory_space<vmem>>)
      tpu.yield
    }) : () -> ()
    "tpu.region"() ({
      %run_scoped3A = tpu.sem_alloc : memref<!tpu.dma_semaphore, #tpu.memory_space<semaphore_mem>>
      %dma_start3A_227 = arith.constant 0 : i32
      %dma_start3A_228 = arith.constant 0 : i32
      %dma_start3A_229 = tpu.memref_slice %arg4[%arg1, %dma_start3A_227, %dma_start3A_228] : memref<16x80x128xi32, #tpu.memory_space<hbm>> -> memref<1x80x128xi32, #tpu.memory_space<hbm>>
      %dma_start3A_230 = tpu.memref_squeeze %dma_start3A_229 : memref<1x80x128xi32, #tpu.memory_space<hbm>> -> memref<80x128xi32, #tpu.memory_space<hbm>>
      %dma_start3A_231 = arith.constant 40 : i32
      %dma_start3A_232 = arith.constant 0 : i32
      %dma_start3A_233 = tpu.memref_slice %dma_start3A_230[%dma_start3A_231, %dma_start3A_232] : memref<80x128xi32, #tpu.memory_space<hbm>> -> memref<40x128xi32, #tpu.memory_space<hbm>>
      %dma_start3A_234 = arith.constant 0 : i32
      %dma_start3A_235 = arith.constant 0 : i32
      %dma_start3A_236 = tpu.memref_slice %arg4[%arg1, %dma_start3A_234, %dma_start3A_235] : memref<16x80x128xi32, #tpu.memory_space<hbm>> -> memref<1x80x128xi32, #tpu.memory_space<hbm>>
      %dma_start3A_237 = tpu.memref_squeeze %dma_start3A_236 : memref<1x80x128xi32, #tpu.memory_space<hbm>> -> memref<80x128xi32, #tpu.memory_space<hbm>>
      %dma_start3A_238 = arith.constant 40 : i32
      %dma_start3A_239 = arith.constant 0 : i32
      %dma_start3A_240 = tpu.memref_slice %dma_start3A_237[%dma_start3A_238, %dma_start3A_239] : memref<80x128xi32, #tpu.memory_space<hbm>> -> memref<40x128xi32, #tpu.memory_space<hbm>>
      tpu.enqueue_dma source(%dma_start3A_240 : memref<40x128xi32, #tpu.memory_space<hbm>>) target(%arg7 : memref<40x128xi32, #tpu.memory_space<vmem>>) target_semaphore(%run_scoped3A : memref<!tpu.dma_semaphore, #tpu.memory_space<semaphore_mem>>)
      %dma_wait3A = arith.constant 0 : i32
      %dma_wait3A_241 = arith.constant 0 : i32
      %dma_wait3A_242 = tpu.memref_slice %arg4[%arg1, %dma_wait3A, %dma_wait3A_241] : memref<16x80x128xi32, #tpu.memory_space<hbm>> -> memref<1x80x128xi32, #tpu.memory_space<hbm>>
      %dma_wait3A_243 = tpu.memref_squeeze %dma_wait3A_242 : memref<1x80x128xi32, #tpu.memory_space<hbm>> -> memref<80x128xi32, #tpu.memory_space<hbm>>
      %dma_wait3A_244 = arith.constant 40 : i32
      %dma_wait3A_245 = arith.constant 0 : i32
      %dma_wait3A_246 = tpu.memref_slice %dma_wait3A_243[%dma_wait3A_244, %dma_wait3A_245] : memref<80x128xi32, #tpu.memory_space<hbm>> -> memref<40x128xi32, #tpu.memory_space<hbm>>
      %dma_wait3A_247 = arith.constant 0 : i32
      %dma_wait3A_248 = arith.constant 0 : i32
      %dma_wait3A_249 = tpu.memref_slice %arg4[%arg1, %dma_wait3A_247, %dma_wait3A_248] : memref<16x80x128xi32, #tpu.memory_space<hbm>> -> memref<1x80x128xi32, #tpu.memory_space<hbm>>
      %dma_wait3A_250 = tpu.memref_squeeze %dma_wait3A_249 : memref<1x80x128xi32, #tpu.memory_space<hbm>> -> memref<80x128xi32, #tpu.memory_space<hbm>>
      %dma_wait3A_251 = arith.constant 40 : i32
      %dma_wait3A_252 = arith.constant 0 : i32
      %dma_wait3A_253 = tpu.memref_slice %dma_wait3A_250[%dma_wait3A_251, %dma_wait3A_252] : memref<80x128xi32, #tpu.memory_space<hbm>> -> memref<40x128xi32, #tpu.memory_space<hbm>>
      tpu.wait_dma2 semaphore(%run_scoped3A : memref<!tpu.dma_semaphore, #tpu.memory_space<semaphore_mem>>) src(%dma_wait3A_253 : memref<40x128xi32, #tpu.memory_space<hbm>>) dst(%arg7 : memref<40x128xi32, #tpu.memory_space<vmem>>)
      tpu.yield
    }) : () -> ()
    %dma_start3A_124 = arith.constant 0 : i32
    %dma_start3A_125 = arith.constant 0 : i32
    %dma_start3A_126 = arith.constant 0 : i32
    %dma_start3A_127 = tpu.memref_slice %arg8[%dma_start3A_125, %dma_start3A_126] : memref<128x128xf32, #tpu.memory_space<vmem>> -> memref<32x128xf32, #tpu.memory_space<vmem>>
    %dma_start3A_128 = arith.constant 0 : i32
    %dma_start3A_129 = tpu.memref_slice %arg6[%dma_start3A_124, %dma_start3A_128] : memref<40x128xi32, #tpu.memory_space<vmem>> -> memref<1x128xi32, #tpu.memory_space<vmem>>
    %dma_start3A_130 = tpu.memref_squeeze %dma_start3A_129 : memref<1x128xi32, #tpu.memory_space<vmem>> -> memref<128xi32, #tpu.memory_space<vmem>>
    %dma_start3A_131 = arith.constant 0 : i32
    %dma_start3A_132 = tpu.memref_slice %dma_start3A_130[%dma_start3A_131] : memref<128xi32, #tpu.memory_space<vmem>> -> memref<32xi32, #tpu.memory_space<vmem>>
    %dma_start3A_133 = arith.constant 0 : i32
    %dma_start3A_134 = arith.constant 0 : i32
    %dma_start3A_135 = tpu.memref_slice %arg2[%dma_start3A_133, %dma_start3A_134] : memref<20000x128xf32, #tpu.memory_space<hbm>> -> memref<20000x128xf32, #tpu.memory_space<hbm>>
    tpu.enqueue_indirect_dma source(%dma_start3A_135 : memref<20000x128xf32, #tpu.memory_space<hbm>>) target(%dma_start3A_127 : memref<32x128xf32, #tpu.memory_space<vmem>>) offsets(%dma_start3A_132 : memref<32xi32, #tpu.memory_space<vmem>>) semaphore(%arg11 : memref<!tpu.dma_semaphore, #tpu.memory_space<semaphore_mem>>)
    %dma_start3A_136 = arith.constant 0 : i32
    %dma_start3A_137 = arith.constant 32 : i32
    %dma_start3A_138 = arith.constant 0 : i32
    %dma_start3A_139 = tpu.memref_slice %arg8[%dma_start3A_137, %dma_start3A_138] : memref<128x128xf32, #tpu.memory_space<vmem>> -> memref<32x128xf32, #tpu.memory_space<vmem>>
    %dma_start3A_140 = arith.constant 0 : i32
    %dma_start3A_141 = tpu.memref_slice %arg6[%dma_start3A_136, %dma_start3A_140] : memref<40x128xi32, #tpu.memory_space<vmem>> -> memref<1x128xi32, #tpu.memory_space<vmem>>
    %dma_start3A_142 = tpu.memref_squeeze %dma_start3A_141 : memref<1x128xi32, #tpu.memory_space<vmem>> -> memref<128xi32, #tpu.memory_space<vmem>>
    %dma_start3A_143 = arith.constant 32 : i32
    %dma_start3A_144 = tpu.memref_slice %dma_start3A_142[%dma_start3A_143] : memref<128xi32, #tpu.memory_space<vmem>> -> memref<32xi32, #tpu.memory_space<vmem>>
    %dma_start3A_145 = arith.constant 0 : i32
    %dma_start3A_146 = arith.constant 0 : i32
    %dma_start3A_147 = tpu.memref_slice %arg2[%dma_start3A_145, %dma_start3A_146] : memref<20000x128xf32, #tpu.memory_space<hbm>> -> memref<20000x128xf32, #tpu.memory_space<hbm>>
    tpu.enqueue_indirect_dma source(%dma_start3A_147 : memref<20000x128xf32, #tpu.memory_space<hbm>>) target(%dma_start3A_139 : memref<32x128xf32, #tpu.memory_space<vmem>>) offsets(%dma_start3A_144 : memref<32xi32, #tpu.memory_space<vmem>>) semaphore(%arg11 : memref<!tpu.dma_semaphore, #tpu.memory_space<semaphore_mem>>)
    %dma_start3A_148 = arith.constant 0 : i32
    %dma_start3A_149 = arith.constant 64 : i32
    %dma_start3A_150 = arith.constant 0 : i32
    %dma_start3A_151 = tpu.memref_slice %arg8[%dma_start3A_149, %dma_start3A_150] : memref<128x128xf32, #tpu.memory_space<vmem>> -> memref<32x128xf32, #tpu.memory_space<vmem>>
    %dma_start3A_152 = arith.constant 0 : i32
    %dma_start3A_153 = tpu.memref_slice %arg6[%dma_start3A_148, %dma_start3A_152] : memref<40x128xi32, #tpu.memory_space<vmem>> -> memref<1x128xi32, #tpu.memory_space<vmem>>
    %dma_start3A_154 = tpu.memref_squeeze %dma_start3A_153 : memref<1x128xi32, #tpu.memory_space<vmem>> -> memref<128xi32, #tpu.memory_space<vmem>>
    %dma_start3A_155 = arith.constant 64 : i32
    %dma_start3A_156 = tpu.memref_slice %dma_start3A_154[%dma_start3A_155] : memref<128xi32, #tpu.memory_space<vmem>> -> memref<32xi32, #tpu.memory_space<vmem>>
    %dma_start3A_157 = arith.constant 0 : i32
    %dma_start3A_158 = arith.constant 0 : i32
    %dma_start3A_159 = tpu.memref_slice %arg2[%dma_start3A_157, %dma_start3A_158] : memref<20000x128xf32, #tpu.memory_space<hbm>> -> memref<20000x128xf32, #tpu.memory_space<hbm>>
    tpu.enqueue_indirect_dma source(%dma_start3A_159 : memref<20000x128xf32, #tpu.memory_space<hbm>>) target(%dma_start3A_151 : memref<32x128xf32, #tpu.memory_space<vmem>>) offsets(%dma_start3A_156 : memref<32xi32, #tpu.memory_space<vmem>>) semaphore(%arg11 : memref<!tpu.dma_semaphore, #tpu.memory_space<semaphore_mem>>)
    %dma_start3A_160 = arith.constant 0 : i32
    %dma_start3A_161 = arith.constant 96 : i32
    %dma_start3A_162 = arith.constant 0 : i32
    %dma_start3A_163 = tpu.memref_slice %arg8[%dma_start3A_161, %dma_start3A_162] : memref<128x128xf32, #tpu.memory_space<vmem>> -> memref<32x128xf32, #tpu.memory_space<vmem>>
    %dma_start3A_164 = arith.constant 0 : i32
    %dma_start3A_165 = tpu.memref_slice %arg6[%dma_start3A_160, %dma_start3A_164] : memref<40x128xi32, #tpu.memory_space<vmem>> -> memref<1x128xi32, #tpu.memory_space<vmem>>
    %dma_start3A_166 = tpu.memref_squeeze %dma_start3A_165 : memref<1x128xi32, #tpu.memory_space<vmem>> -> memref<128xi32, #tpu.memory_space<vmem>>
    %dma_start3A_167 = arith.constant 96 : i32
    %dma_start3A_168 = tpu.memref_slice %dma_start3A_166[%dma_start3A_167] : memref<128xi32, #tpu.memory_space<vmem>> -> memref<32xi32, #tpu.memory_space<vmem>>
    %dma_start3A_169 = arith.constant 0 : i32
    %dma_start3A_170 = arith.constant 0 : i32
    %dma_start3A_171 = tpu.memref_slice %arg2[%dma_start3A_169, %dma_start3A_170] : memref<20000x128xf32, #tpu.memory_space<hbm>> -> memref<20000x128xf32, #tpu.memory_space<hbm>>
    tpu.enqueue_indirect_dma source(%dma_start3A_171 : memref<20000x128xf32, #tpu.memory_space<hbm>>) target(%dma_start3A_163 : memref<32x128xf32, #tpu.memory_space<vmem>>) offsets(%dma_start3A_168 : memref<32xi32, #tpu.memory_space<vmem>>) semaphore(%arg11 : memref<!tpu.dma_semaphore, #tpu.memory_space<semaphore_mem>>)
    %dma_start3A_172 = arith.constant 1 : i32
    %dma_start3A_173 = arith.constant 0 : i32
    %dma_start3A_174 = arith.constant 0 : i32
    %dma_start3A_175 = tpu.memref_slice %arg9[%dma_start3A_173, %dma_start3A_174] : memref<128x128xf32, #tpu.memory_space<vmem>> -> memref<32x128xf32, #tpu.memory_space<vmem>>
    %dma_start3A_176 = arith.constant 0 : i32
    %dma_start3A_177 = tpu.memref_slice %arg6[%dma_start3A_172, %dma_start3A_176] : memref<40x128xi32, #tpu.memory_space<vmem>> -> memref<1x128xi32, #tpu.memory_space<vmem>>
    %dma_start3A_178 = tpu.memref_squeeze %dma_start3A_177 : memref<1x128xi32, #tpu.memory_space<vmem>> -> memref<128xi32, #tpu.memory_space<vmem>>
    %dma_start3A_179 = arith.constant 0 : i32
    %dma_start3A_180 = tpu.memref_slice %dma_start3A_178[%dma_start3A_179] : memref<128xi32, #tpu.memory_space<vmem>> -> memref<32xi32, #tpu.memory_space<vmem>>
    %dma_start3A_181 = arith.constant 0 : i32
    %dma_start3A_182 = arith.constant 0 : i32
    %dma_start3A_183 = tpu.memref_slice %arg2[%dma_start3A_181, %dma_start3A_182] : memref<20000x128xf32, #tpu.memory_space<hbm>> -> memref<20000x128xf32, #tpu.memory_space<hbm>>
    tpu.enqueue_indirect_dma source(%dma_start3A_183 : memref<20000x128xf32, #tpu.memory_space<hbm>>) target(%dma_start3A_175 : memref<32x128xf32, #tpu.memory_space<vmem>>) offsets(%dma_start3A_180 : memref<32xi32, #tpu.memory_space<vmem>>) semaphore(%arg12 : memref<!tpu.dma_semaphore, #tpu.memory_space<semaphore_mem>>)
    %dma_start3A_184 = arith.constant 1 : i32
    %dma_start3A_185 = arith.constant 32 : i32
    %dma_start3A_186 = arith.constant 0 : i32
    %dma_start3A_187 = tpu.memref_slice %arg9[%dma_start3A_185, %dma_start3A_186] : memref<128x128xf32, #tpu.memory_space<vmem>> -> memref<32x128xf32, #tpu.memory_space<vmem>>
    %dma_start3A_188 = arith.constant 0 : i32
    %dma_start3A_189 = tpu.memref_slice %arg6[%dma_start3A_184, %dma_start3A_188] : memref<40x128xi32, #tpu.memory_space<vmem>> -> memref<1x128xi32, #tpu.memory_space<vmem>>
    %dma_start3A_190 = tpu.memref_squeeze %dma_start3A_189 : memref<1x128xi32, #tpu.memory_space<vmem>> -> memref<128xi32, #tpu.memory_space<vmem>>
    %dma_start3A_191 = arith.constant 32 : i32
    %dma_start3A_192 = tpu.memref_slice %dma_start3A_190[%dma_start3A_191] : memref<128xi32, #tpu.memory_space<vmem>> -> memref<32xi32, #tpu.memory_space<vmem>>
    %dma_start3A_193 = arith.constant 0 : i32
    %dma_start3A_194 = arith.constant 0 : i32
    %dma_start3A_195 = tpu.memref_slice %arg2[%dma_start3A_193, %dma_start3A_194] : memref<20000x128xf32, #tpu.memory_space<hbm>> -> memref<20000x128xf32, #tpu.memory_space<hbm>>
    tpu.enqueue_indirect_dma source(%dma_start3A_195 : memref<20000x128xf32, #tpu.memory_space<hbm>>) target(%dma_start3A_187 : memref<32x128xf32, #tpu.memory_space<vmem>>) offsets(%dma_start3A_192 : memref<32xi32, #tpu.memory_space<vmem>>) semaphore(%arg12 : memref<!tpu.dma_semaphore, #tpu.memory_space<semaphore_mem>>)
    %dma_start3A_196 = arith.constant 1 : i32
    %dma_start3A_197 = arith.constant 64 : i32
    %dma_start3A_198 = arith.constant 0 : i32
    %dma_start3A_199 = tpu.memref_slice %arg9[%dma_start3A_197, %dma_start3A_198] : memref<128x128xf32, #tpu.memory_space<vmem>> -> memref<32x128xf32, #tpu.memory_space<vmem>>
    %dma_start3A_200 = arith.constant 0 : i32
    %dma_start3A_201 = tpu.memref_slice %arg6[%dma_start3A_196, %dma_start3A_200] : memref<40x128xi32, #tpu.memory_space<vmem>> -> memref<1x128xi32, #tpu.memory_space<vmem>>
    %dma_start3A_202 = tpu.memref_squeeze %dma_start3A_201 : memref<1x128xi32, #tpu.memory_space<vmem>> -> memref<128xi32, #tpu.memory_space<vmem>>
    %dma_start3A_203 = arith.constant 64 : i32
    %dma_start3A_204 = tpu.memref_slice %dma_start3A_202[%dma_start3A_203] : memref<128xi32, #tpu.memory_space<vmem>> -> memref<32xi32, #tpu.memory_space<vmem>>
    %dma_start3A_205 = arith.constant 0 : i32
    %dma_start3A_206 = arith.constant 0 : i32
    %dma_start3A_207 = tpu.memref_slice %arg2[%dma_start3A_205, %dma_start3A_206] : memref<20000x128xf32, #tpu.memory_space<hbm>> -> memref<20000x128xf32, #tpu.memory_space<hbm>>
    tpu.enqueue_indirect_dma source(%dma_start3A_207 : memref<20000x128xf32, #tpu.memory_space<hbm>>) target(%dma_start3A_199 : memref<32x128xf32, #tpu.memory_space<vmem>>) offsets(%dma_start3A_204 : memref<32xi32, #tpu.memory_space<vmem>>) semaphore(%arg12 : memref<!tpu.dma_semaphore, #tpu.memory_space<semaphore_mem>>)
    %dma_start3A_208 = arith.constant 1 : i32
    %dma_start3A_209 = arith.constant 96 : i32
    %dma_start3A_210 = arith.constant 0 : i32
    %dma_start3A_211 = tpu.memref_slice %arg9[%dma_start3A_209, %dma_start3A_210] : memref<128x128xf32, #tpu.memory_space<vmem>> -> memref<32x128xf32, #tpu.memory_space<vmem>>
    %dma_start3A_212 = arith.constant 0 : i32
    %dma_start3A_213 = tpu.memref_slice %arg6[%dma_start3A_208, %dma_start3A_212] : memref<40x128xi32, #tpu.memory_space<vmem>> -> memref<1x128xi32, #tpu.memory_space<vmem>>
    %dma_start3A_214 = tpu.memref_squeeze %dma_start3A_213 : memref<1x128xi32, #tpu.memory_space<vmem>> -> memref<128xi32, #tpu.memory_space<vmem>>
    %dma_start3A_215 = arith.constant 96 : i32
    %dma_start3A_216 = tpu.memref_slice %dma_start3A_214[%dma_start3A_215] : memref<128xi32, #tpu.memory_space<vmem>> -> memref<32xi32, #tpu.memory_space<vmem>>
    %dma_start3A_217 = arith.constant 0 : i32
    %dma_start3A_218 = arith.constant 0 : i32
    %dma_start3A_219 = tpu.memref_slice %arg2[%dma_start3A_217, %dma_start3A_218] : memref<20000x128xf32, #tpu.memory_space<hbm>> -> memref<20000x128xf32, #tpu.memory_space<hbm>>
    tpu.enqueue_indirect_dma source(%dma_start3A_219 : memref<20000x128xf32, #tpu.memory_space<hbm>>) target(%dma_start3A_211 : memref<32x128xf32, #tpu.memory_space<vmem>>) offsets(%dma_start3A_216 : memref<32xi32, #tpu.memory_space<vmem>>) semaphore(%arg12 : memref<!tpu.dma_semaphore, #tpu.memory_space<semaphore_mem>>)
    %scan3A_220 = arith.constant 0 : i32
    %scan3A_221 = arith.constant 20 : i32
    %scan3A_222 = arith.addi %scan3A_220, %scan3A_221 : i32
    %scan3A_223 = arith.constant 1 : i32
    scf.for %scan3A_227 = %scan3A_220 to %scan3A_222 step %scan3A_223  : i32 {
      %mul3A_228 = arith.constant 1 : i32
      %mul3A_229 = arith.muli %scan3A_227, %mul3A_228 : i32
      %add3A_230 = arith.constant 0 : i32
      %add3A_231 = arith.addi %add3A_230, %mul3A_229 : i32
      %mul3A_232 = arith.constant 2 : i32
      %mul3A_233 = arith.muli %add3A_231, %mul3A_232 : i32
      %add3A_234 = arith.constant 0 : i32
      %add3A_235 = arith.addi %mul3A_233, %add3A_234 : i32
      %dma_wait3A = arith.constant 0 : i32
      %dma_wait3A_236 = tpu.memref_slice %arg6[%add3A_235, %dma_wait3A] : memref<40x128xi32, #tpu.memory_space<vmem>> -> memref<1x128xi32, #tpu.memory_space<vmem>>
      %dma_wait3A_237 = tpu.memref_squeeze %dma_wait3A_236 : memref<1x128xi32, #tpu.memory_space<vmem>> -> memref<128xi32, #tpu.memory_space<vmem>>
      %dma_wait3A_238 = arith.constant 0 : i32
      %dma_wait3A_239 = arith.constant 0 : i32
      %dma_wait3A_240 = tpu.memref_slice %arg2[%dma_wait3A_238, %dma_wait3A_239] : memref<20000x128xf32, #tpu.memory_space<hbm>> -> memref<20000x128xf32, #tpu.memory_space<hbm>>
      tpu.wait_indirect_dma semaphore(%arg11 : memref<!tpu.dma_semaphore, #tpu.memory_space<semaphore_mem>>) src(%dma_wait3A_240 : memref<20000x128xf32, #tpu.memory_space<hbm>>) dst(%arg8 : memref<128x128xf32, #tpu.memory_space<vmem>>)
      "tpu.region"() ({
        %run_scoped3A = tpu.sem_alloc : memref<!tpu.dma_semaphore, #tpu.memory_space<semaphore_mem>>
        %dma_start3A_262 = arith.constant 0 : i32
        %dma_start3A_263 = tpu.memref_slice %arg7[%add3A_235, %dma_start3A_262] : memref<40x128xi32, #tpu.memory_space<vmem>> -> memref<1x128xi32, #tpu.memory_space<vmem>>
        %dma_start3A_264 = tpu.memref_squeeze %dma_start3A_263 : memref<1x128xi32, #tpu.memory_space<vmem>> -> memref<128xi32, #tpu.memory_space<vmem>>
        %dma_start3A_265 = arith.constant 0 : i32
        %dma_start3A_266 = arith.constant 0 : i32
        %dma_start3A_267 = tpu.memref_slice %arg10[%dma_start3A_265, %dma_start3A_266] : memref<10112x128xf32, #tpu.memory_space<vmem_shared>> -> memref<10112x128xf32, #tpu.memory_space<vmem_shared>>
        tpu.enqueue_indirect_dma source(%arg8 : memref<128x128xf32, #tpu.memory_space<vmem>>) target(%dma_start3A_267 : memref<10112x128xf32, #tpu.memory_space<vmem_shared>>) offsets(%dma_start3A_264 : memref<128xi32, #tpu.memory_space<vmem>>) semaphore(%run_scoped3A : memref<!tpu.dma_semaphore, #tpu.memory_space<semaphore_mem>>) {add = true}
        %dma_wait3A_268 = arith.constant 0 : i32
        %dma_wait3A_269 = tpu.memref_slice %arg7[%add3A_235, %dma_wait3A_268] : memref<40x128xi32, #tpu.memory_space<vmem>> -> memref<1x128xi32, #tpu.memory_space<vmem>>
        %dma_wait3A_270 = tpu.memref_squeeze %dma_wait3A_269 : memref<1x128xi32, #tpu.memory_space<vmem>> -> memref<128xi32, #tpu.memory_space<vmem>>
        %dma_wait3A_271 = arith.constant 0 : i32
        %dma_wait3A_272 = arith.constant 0 : i32
        %dma_wait3A_273 = tpu.memref_slice %arg10[%dma_wait3A_271, %dma_wait3A_272] : memref<10112x128xf32, #tpu.memory_space<vmem_shared>> -> memref<10112x128xf32, #tpu.memory_space<vmem_shared>>
        tpu.wait_indirect_dma semaphore(%run_scoped3A : memref<!tpu.dma_semaphore, #tpu.memory_space<semaphore_mem>>) src(%arg8 : memref<128x128xf32, #tpu.memory_space<vmem>>) dst(%dma_wait3A_273 : memref<10112x128xf32, #tpu.memory_space<vmem_shared>>)
        tpu.yield
      }) : () -> ()
      %add3A_241 = arith.constant 2 : i32
      %add3A_242 = arith.addi %add3A_235, %add3A_241 : i32
      %lt3A = arith.constant 40 : i32
      %lt3A_243 = arith.cmpi slt, %add3A_242, %lt3A : i32
      %convert_element_type3A = arith.extui %lt3A_243 : i1 to i32
      %cond3A = arith.constant 0 : i32
      %cond3A_244 = arith.cmpi ne, %convert_element_type3A, %cond3A : i32
      scf.if %cond3A_244 {
        %dma_start3A_262 = arith.constant 0 : i32
        %dma_start3A_263 = arith.constant 0 : i32
        %dma_start3A_264 = tpu.memref_slice %arg8[%dma_start3A_262, %dma_start3A_263] : memref<128x128xf32, #tpu.memory_space<vmem>> -> memref<32x128xf32, #tpu.memory_space<vmem>>
        %dma_start3A_265 = arith.constant 0 : i32
        %dma_start3A_266 = tpu.memref_slice %arg6[%add3A_242, %dma_start3A_265] : memref<40x128xi32, #tpu.memory_space<vmem>> -> memref<1x128xi32, #tpu.memory_space<vmem>>
        %dma_start3A_267 = tpu.memref_squeeze %dma_start3A_266 : memref<1x128xi32, #tpu.memory_space<vmem>> -> memref<128xi32, #tpu.memory_space<vmem>>
        %dma_start3A_268 = arith.constant 0 : i32
        %dma_start3A_269 = tpu.memref_slice %dma_start3A_267[%dma_start3A_268] : memref<128xi32, #tpu.memory_space<vmem>> -> memref<32xi32, #tpu.memory_space<vmem>>
        %dma_start3A_270 = arith.constant 0 : i32
        %dma_start3A_271 = arith.constant 0 : i32
        %dma_start3A_272 = tpu.memref_slice %arg2[%dma_start3A_270, %dma_start3A_271] : memref<20000x128xf32, #tpu.memory_space<hbm>> -> memref<20000x128xf32, #tpu.memory_space<hbm>>
        tpu.enqueue_indirect_dma source(%dma_start3A_272 : memref<20000x128xf32, #tpu.memory_space<hbm>>) target(%dma_start3A_264 : memref<32x128xf32, #tpu.memory_space<vmem>>) offsets(%dma_start3A_269 : memref<32xi32, #tpu.memory_space<vmem>>) semaphore(%arg11 : memref<!tpu.dma_semaphore, #tpu.memory_space<semaphore_mem>>)
        %dma_start3A_273 = arith.constant 32 : i32
        %dma_start3A_274 = arith.constant 0 : i32
        %dma_start3A_275 = tpu.memref_slice %arg8[%dma_start3A_273, %dma_start3A_274] : memref<128x128xf32, #tpu.memory_space<vmem>> -> memref<32x128xf32, #tpu.memory_space<vmem>>
        %dma_start3A_276 = arith.constant 0 : i32
        %dma_start3A_277 = tpu.memref_slice %arg6[%add3A_242, %dma_start3A_276] : memref<40x128xi32, #tpu.memory_space<vmem>> -> memref<1x128xi32, #tpu.memory_space<vmem>>
        %dma_start3A_278 = tpu.memref_squeeze %dma_start3A_277 : memref<1x128xi32, #tpu.memory_space<vmem>> -> memref<128xi32, #tpu.memory_space<vmem>>
        %dma_start3A_279 = arith.constant 32 : i32
        %dma_start3A_280 = tpu.memref_slice %dma_start3A_278[%dma_start3A_279] : memref<128xi32, #tpu.memory_space<vmem>> -> memref<32xi32, #tpu.memory_space<vmem>>
        %dma_start3A_281 = arith.constant 0 : i32
        %dma_start3A_282 = arith.constant 0 : i32
        %dma_start3A_283 = tpu.memref_slice %arg2[%dma_start3A_281, %dma_start3A_282] : memref<20000x128xf32, #tpu.memory_space<hbm>> -> memref<20000x128xf32, #tpu.memory_space<hbm>>
        tpu.enqueue_indirect_dma source(%dma_start3A_283 : memref<20000x128xf32, #tpu.memory_space<hbm>>) target(%dma_start3A_275 : memref<32x128xf32, #tpu.memory_space<vmem>>) offsets(%dma_start3A_280 : memref<32xi32, #tpu.memory_space<vmem>>) semaphore(%arg11 : memref<!tpu.dma_semaphore, #tpu.memory_space<semaphore_mem>>)
        %dma_start3A_284 = arith.constant 64 : i32
        %dma_start3A_285 = arith.constant 0 : i32
        %dma_start3A_286 = tpu.memref_slice %arg8[%dma_start3A_284, %dma_start3A_285] : memref<128x128xf32, #tpu.memory_space<vmem>> -> memref<32x128xf32, #tpu.memory_space<vmem>>
        %dma_start3A_287 = arith.constant 0 : i32
        %dma_start3A_288 = tpu.memref_slice %arg6[%add3A_242, %dma_start3A_287] : memref<40x128xi32, #tpu.memory_space<vmem>> -> memref<1x128xi32, #tpu.memory_space<vmem>>
        %dma_start3A_289 = tpu.memref_squeeze %dma_start3A_288 : memref<1x128xi32, #tpu.memory_space<vmem>> -> memref<128xi32, #tpu.memory_space<vmem>>
        %dma_start3A_290 = arith.constant 64 : i32
        %dma_start3A_291 = tpu.memref_slice %dma_start3A_289[%dma_start3A_290] : memref<128xi32, #tpu.memory_space<vmem>> -> memref<32xi32, #tpu.memory_space<vmem>>
        %dma_start3A_292 = arith.constant 0 : i32
        %dma_start3A_293 = arith.constant 0 : i32
        %dma_start3A_294 = tpu.memref_slice %arg2[%dma_start3A_292, %dma_start3A_293] : memref<20000x128xf32, #tpu.memory_space<hbm>> -> memref<20000x128xf32, #tpu.memory_space<hbm>>
        tpu.enqueue_indirect_dma source(%dma_start3A_294 : memref<20000x128xf32, #tpu.memory_space<hbm>>) target(%dma_start3A_286 : memref<32x128xf32, #tpu.memory_space<vmem>>) offsets(%dma_start3A_291 : memref<32xi32, #tpu.memory_space<vmem>>) semaphore(%arg11 : memref<!tpu.dma_semaphore, #tpu.memory_space<semaphore_mem>>)
        %dma_start3A_295 = arith.constant 96 : i32
        %dma_start3A_296 = arith.constant 0 : i32
        %dma_start3A_297 = tpu.memref_slice %arg8[%dma_start3A_295, %dma_start3A_296] : memref<128x128xf32, #tpu.memory_space<vmem>> -> memref<32x128xf32, #tpu.memory_space<vmem>>
        %dma_start3A_298 = arith.constant 0 : i32
        %dma_start3A_299 = tpu.memref_slice %arg6[%add3A_242, %dma_start3A_298] : memref<40x128xi32, #tpu.memory_space<vmem>> -> memref<1x128xi32, #tpu.memory_space<vmem>>
        %dma_start3A_300 = tpu.memref_squeeze %dma_start3A_299 : memref<1x128xi32, #tpu.memory_space<vmem>> -> memref<128xi32, #tpu.memory_space<vmem>>
        %dma_start3A_301 = arith.constant 96 : i32
        %dma_start3A_302 = tpu.memref_slice %dma_start3A_300[%dma_start3A_301] : memref<128xi32, #tpu.memory_space<vmem>> -> memref<32xi32, #tpu.memory_space<vmem>>
        %dma_start3A_303 = arith.constant 0 : i32
        %dma_start3A_304 = arith.constant 0 : i32
        %dma_start3A_305 = tpu.memref_slice %arg2[%dma_start3A_303, %dma_start3A_304] : memref<20000x128xf32, #tpu.memory_space<hbm>> -> memref<20000x128xf32, #tpu.memory_space<hbm>>
        tpu.enqueue_indirect_dma source(%dma_start3A_305 : memref<20000x128xf32, #tpu.memory_space<hbm>>) target(%dma_start3A_297 : memref<32x128xf32, #tpu.memory_space<vmem>>) offsets(%dma_start3A_302 : memref<32xi32, #tpu.memory_space<vmem>>) semaphore(%arg11 : memref<!tpu.dma_semaphore, #tpu.memory_space<semaphore_mem>>)
      } else {
      }
      %mul3A_245 = arith.constant 2 : i32
      %mul3A_246 = arith.muli %add3A_231, %mul3A_245 : i32
      %add3A_247 = arith.constant 1 : i32
      %add3A_248 = arith.addi %mul3A_246, %add3A_247 : i32
      %dma_wait3A_249 = arith.constant 0 : i32
      %dma_wait3A_250 = tpu.memref_slice %arg6[%add3A_248, %dma_wait3A_249] : memref<40x128xi32, #tpu.memory_space<vmem>> -> memref<1x128xi32, #tpu.memory_space<vmem>>
      %dma_wait3A_251 = tpu.memref_squeeze %dma_wait3A_250 : memref<1x128xi32, #tpu.memory_space<vmem>> -> memref<128xi32, #tpu.memory_space<vmem>>
      %dma_wait3A_252 = arith.constant 0 : i32
      %dma_wait3A_253 = arith.constant 0 : i32
      %dma_wait3A_254 = tpu.memref_slice %arg2[%dma_wait3A_252, %dma_wait3A_253] : memref<20000x128xf32, #tpu.memory_space<hbm>> -> memref<20000x128xf32, #tpu.memory_space<hbm>>
      tpu.wait_indirect_dma semaphore(%arg12 : memref<!tpu.dma_semaphore, #tpu.memory_space<semaphore_mem>>) src(%dma_wait3A_254 : memref<20000x128xf32, #tpu.memory_space<hbm>>) dst(%arg9 : memref<128x128xf32, #tpu.memory_space<vmem>>)
      "tpu.region"() ({
        %run_scoped3A = tpu.sem_alloc : memref<!tpu.dma_semaphore, #tpu.memory_space<semaphore_mem>>
        %dma_start3A_262 = arith.constant 0 : i32
        %dma_start3A_263 = tpu.memref_slice %arg7[%add3A_248, %dma_start3A_262] : memref<40x128xi32, #tpu.memory_space<vmem>> -> memref<1x128xi32, #tpu.memory_space<vmem>>
        %dma_start3A_264 = tpu.memref_squeeze %dma_start3A_263 : memref<1x128xi32, #tpu.memory_space<vmem>> -> memref<128xi32, #tpu.memory_space<vmem>>
        %dma_start3A_265 = arith.constant 0 : i32
        %dma_start3A_266 = arith.constant 0 : i32
        %dma_start3A_267 = tpu.memref_slice %arg10[%dma_start3A_265, %dma_start3A_266] : memref<10112x128xf32, #tpu.memory_space<vmem_shared>> -> memref<10112x128xf32, #tpu.memory_space<vmem_shared>>
        tpu.enqueue_indirect_dma source(%arg9 : memref<128x128xf32, #tpu.memory_space<vmem>>) target(%dma_start3A_267 : memref<10112x128xf32, #tpu.memory_space<vmem_shared>>) offsets(%dma_start3A_264 : memref<128xi32, #tpu.memory_space<vmem>>) semaphore(%run_scoped3A : memref<!tpu.dma_semaphore, #tpu.memory_space<semaphore_mem>>) {add = true}
        %dma_wait3A_268 = arith.constant 0 : i32
        %dma_wait3A_269 = tpu.memref_slice %arg7[%add3A_248, %dma_wait3A_268] : memref<40x128xi32, #tpu.memory_space<vmem>> -> memref<1x128xi32, #tpu.memory_space<vmem>>
        %dma_wait3A_270 = tpu.memref_squeeze %dma_wait3A_269 : memref<1x128xi32, #tpu.memory_space<vmem>> -> memref<128xi32, #tpu.memory_space<vmem>>
        %dma_wait3A_271 = arith.constant 0 : i32
        %dma_wait3A_272 = arith.constant 0 : i32
        %dma_wait3A_273 = tpu.memref_slice %arg10[%dma_wait3A_271, %dma_wait3A_272] : memref<10112x128xf32, #tpu.memory_space<vmem_shared>> -> memref<10112x128xf32, #tpu.memory_space<vmem_shared>>
        tpu.wait_indirect_dma semaphore(%run_scoped3A : memref<!tpu.dma_semaphore, #tpu.memory_space<semaphore_mem>>) src(%arg9 : memref<128x128xf32, #tpu.memory_space<vmem>>) dst(%dma_wait3A_273 : memref<10112x128xf32, #tpu.memory_space<vmem_shared>>)
        tpu.yield
      }) : () -> ()
      %add3A_255 = arith.constant 2 : i32
      %add3A_256 = arith.addi %add3A_248, %add3A_255 : i32
      %lt3A_257 = arith.constant 40 : i32
      %lt3A_258 = arith.cmpi slt, %add3A_256, %lt3A_257 : i32
      %convert_element_type3A_259 = arith.extui %lt3A_258 : i1 to i32
      %cond3A_260 = arith.constant 0 : i32
      %cond3A_261 = arith.cmpi ne, %convert_element_type3A_259, %cond3A_260 : i32
      scf.if %cond3A_261 {
        %dma_start3A_262 = arith.constant 0 : i32
        %dma_start3A_263 = arith.constant 0 : i32
        %dma_start3A_264 = tpu.memref_slice %arg9[%dma_start3A_262, %dma_start3A_263] : memref<128x128xf32, #tpu.memory_space<vmem>> -> memref<32x128xf32, #tpu.memory_space<vmem>>
        %dma_start3A_265 = arith.constant 0 : i32
        %dma_start3A_266 = tpu.memref_slice %arg6[%add3A_256, %dma_start3A_265] : memref<40x128xi32, #tpu.memory_space<vmem>> -> memref<1x128xi32, #tpu.memory_space<vmem>>
        %dma_start3A_267 = tpu.memref_squeeze %dma_start3A_266 : memref<1x128xi32, #tpu.memory_space<vmem>> -> memref<128xi32, #tpu.memory_space<vmem>>
        %dma_start3A_268 = arith.constant 0 : i32
        %dma_start3A_269 = tpu.memref_slice %dma_start3A_267[%dma_start3A_268] : memref<128xi32, #tpu.memory_space<vmem>> -> memref<32xi32, #tpu.memory_space<vmem>>
        %dma_start3A_270 = arith.constant 0 : i32
        %dma_start3A_271 = arith.constant 0 : i32
        %dma_start3A_272 = tpu.memref_slice %arg2[%dma_start3A_270, %dma_start3A_271] : memref<20000x128xf32, #tpu.memory_space<hbm>> -> memref<20000x128xf32, #tpu.memory_space<hbm>>
        tpu.enqueue_indirect_dma source(%dma_start3A_272 : memref<20000x128xf32, #tpu.memory_space<hbm>>) target(%dma_start3A_264 : memref<32x128xf32, #tpu.memory_space<vmem>>) offsets(%dma_start3A_269 : memref<32xi32, #tpu.memory_space<vmem>>) semaphore(%arg12 : memref<!tpu.dma_semaphore, #tpu.memory_space<semaphore_mem>>)
        %dma_start3A_273 = arith.constant 32 : i32
        %dma_start3A_274 = arith.constant 0 : i32
        %dma_start3A_275 = tpu.memref_slice %arg9[%dma_start3A_273, %dma_start3A_274] : memref<128x128xf32, #tpu.memory_space<vmem>> -> memref<32x128xf32, #tpu.memory_space<vmem>>
        %dma_start3A_276 = arith.constant 0 : i32
        %dma_start3A_277 = tpu.memref_slice %arg6[%add3A_256, %dma_start3A_276] : memref<40x128xi32, #tpu.memory_space<vmem>> -> memref<1x128xi32, #tpu.memory_space<vmem>>
        %dma_start3A_278 = tpu.memref_squeeze %dma_start3A_277 : memref<1x128xi32, #tpu.memory_space<vmem>> -> memref<128xi32, #tpu.memory_space<vmem>>
        %dma_start3A_279 = arith.constant 32 : i32
        %dma_start3A_280 = tpu.memref_slice %dma_start3A_278[%dma_start3A_279] : memref<128xi32, #tpu.memory_space<vmem>> -> memref<32xi32, #tpu.memory_space<vmem>>
        %dma_start3A_281 = arith.constant 0 : i32
        %dma_start3A_282 = arith.constant 0 : i32
        %dma_start3A_283 = tpu.memref_slice %arg2[%dma_start3A_281, %dma_start3A_282] : memref<20000x128xf32, #tpu.memory_space<hbm>> -> memref<20000x128xf32, #tpu.memory_space<hbm>>
        tpu.enqueue_indirect_dma source(%dma_start3A_283 : memref<20000x128xf32, #tpu.memory_space<hbm>>) target(%dma_start3A_275 : memref<32x128xf32, #tpu.memory_space<vmem>>) offsets(%dma_start3A_280 : memref<32xi32, #tpu.memory_space<vmem>>) semaphore(%arg12 : memref<!tpu.dma_semaphore, #tpu.memory_space<semaphore_mem>>)
        %dma_start3A_284 = arith.constant 64 : i32
        %dma_start3A_285 = arith.constant 0 : i32
        %dma_start3A_286 = tpu.memref_slice %arg9[%dma_start3A_284, %dma_start3A_285] : memref<128x128xf32, #tpu.memory_space<vmem>> -> memref<32x128xf32, #tpu.memory_space<vmem>>
        %dma_start3A_287 = arith.constant 0 : i32
        %dma_start3A_288 = tpu.memref_slice %arg6[%add3A_256, %dma_start3A_287] : memref<40x128xi32, #tpu.memory_space<vmem>> -> memref<1x128xi32, #tpu.memory_space<vmem>>
        %dma_start3A_289 = tpu.memref_squeeze %dma_start3A_288 : memref<1x128xi32, #tpu.memory_space<vmem>> -> memref<128xi32, #tpu.memory_space<vmem>>
        %dma_start3A_290 = arith.constant 64 : i32
        %dma_start3A_291 = tpu.memref_slice %dma_start3A_289[%dma_start3A_290] : memref<128xi32, #tpu.memory_space<vmem>> -> memref<32xi32, #tpu.memory_space<vmem>>
        %dma_start3A_292 = arith.constant 0 : i32
        %dma_start3A_293 = arith.constant 0 : i32
        %dma_start3A_294 = tpu.memref_slice %arg2[%dma_start3A_292, %dma_start3A_293] : memref<20000x128xf32, #tpu.memory_space<hbm>> -> memref<20000x128xf32, #tpu.memory_space<hbm>>
        tpu.enqueue_indirect_dma source(%dma_start3A_294 : memref<20000x128xf32, #tpu.memory_space<hbm>>) target(%dma_start3A_286 : memref<32x128xf32, #tpu.memory_space<vmem>>) offsets(%dma_start3A_291 : memref<32xi32, #tpu.memory_space<vmem>>) semaphore(%arg12 : memref<!tpu.dma_semaphore, #tpu.memory_space<semaphore_mem>>)
        %dma_start3A_295 = arith.constant 96 : i32
        %dma_start3A_296 = arith.constant 0 : i32
        %dma_start3A_297 = tpu.memref_slice %arg9[%dma_start3A_295, %dma_start3A_296] : memref<128x128xf32, #tpu.memory_space<vmem>> -> memref<32x128xf32, #tpu.memory_space<vmem>>
        %dma_start3A_298 = arith.constant 0 : i32
        %dma_start3A_299 = tpu.memref_slice %arg6[%add3A_256, %dma_start3A_298] : memref<40x128xi32, #tpu.memory_space<vmem>> -> memref<1x128xi32, #tpu.memory_space<vmem>>
        %dma_start3A_300 = tpu.memref_squeeze %dma_start3A_299 : memref<1x128xi32, #tpu.memory_space<vmem>> -> memref<128xi32, #tpu.memory_space<vmem>>
        %dma_start3A_301 = arith.constant 96 : i32
        %dma_start3A_302 = tpu.memref_slice %dma_start3A_300[%dma_start3A_301] : memref<128xi32, #tpu.memory_space<vmem>> -> memref<32xi32, #tpu.memory_space<vmem>>
        %dma_start3A_303 = arith.constant 0 : i32
        %dma_start3A_304 = arith.constant 0 : i32
        %dma_start3A_305 = tpu.memref_slice %arg2[%dma_start3A_303, %dma_start3A_304] : memref<20000x128xf32, #tpu.memory_space<hbm>> -> memref<20000x128xf32, #tpu.memory_space<hbm>>
        tpu.enqueue_indirect_dma source(%dma_start3A_305 : memref<20000x128xf32, #tpu.memory_space<hbm>>) target(%dma_start3A_297 : memref<32x128xf32, #tpu.memory_space<vmem>>) offsets(%dma_start3A_302 : memref<32xi32, #tpu.memory_space<vmem>>) semaphore(%arg12 : memref<!tpu.dma_semaphore, #tpu.memory_space<semaphore_mem>>)
      } else {
      }
    }
    %scan3A_224 = arith.constant 20 : i32
    %barrier3A_225 = arith.constant 0 : index
    tpu.barrier barrier_id(%barrier3A_225)
    %add3A_226 = arith.addi %multiple_of3A_3, %multiple_of3A : i32
    "tpu.region"() ({
      %run_scoped3A = tpu.sem_alloc : memref<!tpu.dma_semaphore, #tpu.memory_space<semaphore_mem>>
      %dma_start3A_227 = arith.constant 0 : i32
      %dma_start3A_228 = tpu.memref_slice %arg5[%add3A_226, %dma_start3A_227] : memref<20224x128xf32, #tpu.memory_space<hbm>> -> memref<632x128xf32, #tpu.memory_space<hbm>>
      %dma_start3A_229 = arith.constant 0 : i32
      %dma_start3A_230 = tpu.memref_slice %arg10[%multiple_of3A, %dma_start3A_229] : memref<10112x128xf32, #tpu.memory_space<vmem_shared>> -> memref<632x128xf32, #tpu.memory_space<vmem_shared>>
      tpu.enqueue_dma source(%dma_start3A_230 : memref<632x128xf32, #tpu.memory_space<vmem_shared>>) target(%dma_start3A_228 : memref<632x128xf32, #tpu.memory_space<hbm>>) target_semaphore(%run_scoped3A : memref<!tpu.dma_semaphore, #tpu.memory_space<semaphore_mem>>)
      %dma_wait3A = arith.constant 0 : i32
      %dma_wait3A_231 = tpu.memref_slice %arg5[%add3A_226, %dma_wait3A] : memref<20224x128xf32, #tpu.memory_space<hbm>> -> memref<632x128xf32, #tpu.memory_space<hbm>>
      %dma_wait3A_232 = arith.constant 0 : i32
      %dma_wait3A_233 = tpu.memref_slice %arg10[%multiple_of3A, %dma_wait3A_232] : memref<10112x128xf32, #tpu.memory_space<vmem_shared>> -> memref<632x128xf32, #tpu.memory_space<vmem_shared>>
      tpu.wait_dma2 semaphore(%run_scoped3A : memref<!tpu.dma_semaphore, #tpu.memory_space<semaphore_mem>>) src(%dma_wait3A_233 : memref<632x128xf32, #tpu.memory_space<vmem_shared>>) dst(%dma_wait3A_231 : memref<632x128xf32, #tpu.memory_space<hbm>>)
      tpu.yield
    }) : () -> ()
    return
  }
}

module attributes {stable_mosaic.version = 14 : i64} {
  func.func @_mlp_body(%arg0: i32, %arg1: memref<2x1000x128xf32, #tpu.memory_space<vmem>>, %arg2: memref<1000x256xf32, #tpu.memory_space<vmem>>, %arg3: memref<256x256xbf16, #tpu.memory_space<vmem>>, %arg4: memref<1x256xf32, #tpu.memory_space<vmem>>, %arg5: memref<256x256xbf16, #tpu.memory_space<vmem>>, %arg6: memref<1x256xf32, #tpu.memory_space<vmem>>, %arg7: memref<1000x256xf32, #tpu.memory_space<vmem>>) attributes {dimension_semantics = [#tpu.dimension_semantics<arbitrary>], iteration_bounds = array<i64: 10>, scalar_prefetch = 0 : i64, scratch_operands = 0 : i64, tpu.core_type = #tpu.core_type<tc>, window_params = [{transform_indices = @transform_0, window_bounds = array<i64: 2, 1000, 128>}, {transform_indices = @transform_1, window_bounds = array<i64: 1000, 256>}, {pipeline_mode = #tpu.pipeline_mode<synchronous>, transform_indices = @transform_2, window_bounds = array<i64: 256, 256>}, {pipeline_mode = #tpu.pipeline_mode<synchronous>, transform_indices = @transform_3, window_bounds = array<i64: 1, 256>}, {pipeline_mode = #tpu.pipeline_mode<synchronous>, transform_indices = @transform_4, window_bounds = array<i64: 256, 256>}, {pipeline_mode = #tpu.pipeline_mode<synchronous>, transform_indices = @transform_5, window_bounds = array<i64: 1, 256>}, {transform_indices = @transform_6, window_bounds = array<i64: 1000, 256>}]} {
    %get3A = arith.constant 0 : index
    %get3A_0 = arith.constant 0 : index
    %get3A_1 = vector.load %arg2[%get3A, %get3A_0] : memref<1000x256xf32, #tpu.memory_space<vmem>>, vector<1000x256xf32>
    %get3A_2 = arith.constant 0 : index
    %get3A_3 = arith.constant 0 : index
    %get3A_4 = arith.constant 0 : index
    %get3A_5 = vector.load %arg1[%get3A_2, %get3A_3, %get3A_4] : memref<2x1000x128xf32, #tpu.memory_space<vmem>>, vector<1x1000x128xf32>
    %get3A_6 = vector.shape_cast %get3A_5 : vector<1x1000x128xf32> to vector<1000x128xf32>
    %get3A_7 = arith.constant 1 : index
    %get3A_8 = arith.constant 0 : index
    %get3A_9 = arith.constant 0 : index
    %get3A_10 = vector.load %arg1[%get3A_7, %get3A_8, %get3A_9] : memref<2x1000x128xf32, #tpu.memory_space<vmem>>, vector<1x1000x128xf32>
    %get3A_11 = vector.shape_cast %get3A_10 : vector<1x1000x128xf32> to vector<1000x128xf32>
    %concatenate3A = tpu.concatenate %get3A_6, %get3A_11 in 1 : vector<1000x128xf32>, vector<1000x128xf32> -> vector<1000x256xf32>
    %add3A = arith.addf %get3A_1, %concatenate3A : vector<1000x256xf32>
    %convert_element_type3A = arith.truncf %add3A : vector<1000x256xf32> to vector<1000x256xbf16>
    %get3A_12 = arith.constant 0 : index
    %get3A_13 = arith.constant 0 : index
    %get3A_14 = vector.load %arg3[%get3A_12, %get3A_13] : memref<256x256xbf16, #tpu.memory_space<vmem>>, vector<256x256xbf16>
    %dot_general3A = arith.constant dense<0.000000e+00> : vector<1000x256xf32>
    %dot_general3A_15 = tpu.matmul %convert_element_type3A, %get3A_14, %dot_general3A {dimension_numbers = #tpu.dot_dimension_numbers<[1], [0], [0], [1], [0, 0, 1, 1], [], []>, transpose_lhs_hint = false} : vector<1000x256xbf16>, vector<256x256xbf16>, vector<1000x256xf32> -> vector<1000x256xf32>
    %get3A_16 = arith.constant 0 : index
    %get3A_17 = arith.constant 0 : index
    %get3A_18 = vector.load %arg4[%get3A_16, %get3A_17] : memref<1x256xf32, #tpu.memory_space<vmem>>, vector<1x256xf32>
    %add3A_19 = vector.broadcast %get3A_18 : vector<1x256xf32> to vector<1000x256xf32>
    %add3A_20 = arith.addf %dot_general3A_15, %add3A_19 : vector<1000x256xf32>
    %min3A = arith.constant 4.000000e+01 : f32
    %min3A_21 = vector.broadcast %min3A : f32 to vector<1000x256xf32>
    %min3A_22 = arith.minimumf %add3A_20, %min3A_21 : vector<1000x256xf32>
    %exp3A = math.exp %min3A_22 : vector<1000x256xf32>
    %add3A_23 = arith.constant 1.000000e+00 : f32
    %add3A_24 = vector.broadcast %add3A_23 : f32 to vector<1000x256xf32>
    %add3A_25 = arith.addf %add3A_24, %exp3A : vector<1000x256xf32>
    %mul3A = arith.mulf %add3A_25, %add3A_25 : vector<1000x256xf32>
    %add3A_26 = arith.constant 1.000000e+00 : f32
    %add3A_27 = vector.broadcast %add3A_26 : f32 to vector<1000x256xf32>
    %add3A_28 = arith.addf %mul3A, %add3A_27 : vector<1000x256xf32>
    %div3A = arith.constant 2.000000e+00 : f32
    %div3A_29 = vector.broadcast %div3A : f32 to vector<1000x256xf32>
    %div3A_30 = arith.divf %div3A_29, %add3A_28 : vector<1000x256xf32>
    %sub3A = arith.constant 1.000000e+00 : f32
    %sub3A_31 = vector.broadcast %sub3A : f32 to vector<1000x256xf32>
    %sub3A_32 = arith.subf %sub3A_31, %div3A_30 : vector<1000x256xf32>
    %mul3A_33 = arith.mulf %add3A_20, %sub3A_32 : vector<1000x256xf32>
    %convert_element_type3A_34 = arith.truncf %mul3A_33 : vector<1000x256xf32> to vector<1000x256xbf16>
    %get3A_35 = arith.constant 0 : index
    %get3A_36 = arith.constant 0 : index
    %get3A_37 = vector.load %arg5[%get3A_35, %get3A_36] : memref<256x256xbf16, #tpu.memory_space<vmem>>, vector<256x256xbf16>
    %dot_general3A_38 = arith.constant dense<0.000000e+00> : vector<1000x256xf32>
    %dot_general3A_39 = tpu.matmul %convert_element_type3A_34, %get3A_37, %dot_general3A_38 {dimension_numbers = #tpu.dot_dimension_numbers<[1], [0], [0], [1], [0, 0, 1, 1], [], []>, transpose_lhs_hint = false} : vector<1000x256xbf16>, vector<256x256xbf16>, vector<1000x256xf32> -> vector<1000x256xf32>
    %get3A_40 = arith.constant 0 : index
    %get3A_41 = arith.constant 0 : index
    %get3A_42 = vector.load %arg6[%get3A_40, %get3A_41] : memref<1x256xf32, #tpu.memory_space<vmem>>, vector<1x256xf32>
    %add3A_43 = vector.broadcast %get3A_42 : vector<1x256xf32> to vector<1000x256xf32>
    %add3A_44 = arith.addf %dot_general3A_39, %add3A_43 : vector<1000x256xf32>
    %add3A_45 = arith.addf %get3A_1, %add3A_44 : vector<1000x256xf32>
    %swap3A = arith.constant 0 : index
    %swap3A_46 = arith.constant 0 : index
    %swap3A_47 = vector.load %arg7[%swap3A, %swap3A_46] : memref<1000x256xf32, #tpu.memory_space<vmem>>, vector<1000x256xf32>
    tpu.vector_store %arg7[%swap3A, %swap3A_46], %add3A_45 {strides = array<i32>} : memref<1000x256xf32, #tpu.memory_space<vmem>>, vector<1000x256xf32>,
    return
  }
  func.func @transform_0(%arg0: i32) -> (i32, i32, i32) {
    %c0_i32 = arith.constant 0 : i32
    %c0_i32_0 = arith.constant 0 : i32
    %c0_i32_1 = arith.constant 0 : i32
    return %c0_i32, %arg0, %c0_i32_0 : i32, i32, i32
  }
  func.func @transform_1(%arg0: i32) -> (i32, i32) {
    %c0_i32 = arith.constant 0 : i32
    %c0_i32_0 = arith.constant 0 : i32
    return %arg0, %c0_i32 : i32, i32
  }
  func.func @transform_2(%arg0: i32) -> (i32, i32) {
    %c0_i32 = arith.constant 0 : i32
    %c0_i32_0 = arith.constant 0 : i32
    %c0_i32_1 = arith.constant 0 : i32
    return %c0_i32, %c0_i32_0 : i32, i32
  }
  func.func @transform_3(%arg0: i32) -> (i32, i32) {
    %c0_i32 = arith.constant 0 : i32
    %c0_i32_0 = arith.constant 0 : i32
    %c0_i32_1 = arith.constant 0 : i32
    return %c0_i32, %c0_i32_0 : i32, i32
  }
  func.func @transform_4(%arg0: i32) -> (i32, i32) {
    %c0_i32 = arith.constant 0 : i32
    %c0_i32_0 = arith.constant 0 : i32
    %c0_i32_1 = arith.constant 0 : i32
    return %c0_i32, %c0_i32_0 : i32, i32
  }
  func.func @transform_5(%arg0: i32) -> (i32, i32) {
    %c0_i32 = arith.constant 0 : i32
    %c0_i32_0 = arith.constant 0 : i32
    %c0_i32_1 = arith.constant 0 : i32
    return %c0_i32, %c0_i32_0 : i32, i32
  }
  func.func @transform_6(%arg0: i32) -> (i32, i32) {
    %c0_i32 = arith.constant 0 : i32
    %c0_i32_0 = arith.constant 0 : i32
    return %arg0, %c0_i32 : i32, i32
  }
}

</mosaic_0001>

<sc_bundles>
// kernel: kernel.4.cloned.1.call-start
scs
__scs_entry_jumppad:
0x0: {  	(pc) =	sbr.rel $0x88, $3  }
0x1: {  	(tag) =	ssettag $0x0;
	lr =	simm.s32 $0x1  }
0x2: {  	[smem:$0x3F9B] =	sst lr;
	_ =	strace $0xD0000000  }
0x3: {  	_ = 	snop  }
0x4: {  	_ = 	snop  }
0x5: {  	_ = 	snop  }
0x6: {  	_ = 	snop  }
0x7: {  	_ = 	snop  }
__scs_overlays_trampoline_lowered:
0x8: {  	[smem:$0x3FAA] =	sst s0  }
0x9: {  	[smem:$0x3FAB] =	sst s1  }
0xa: {  	[smem:$0x3FAC] =	sst s2  }
0xb: {  	[smem:$0x3FAD] =	sst s3  }
0xc: {  	[smem:$0x3FAE] =	sst s4  }
0xd: {  	[smem:$0x3FAF] =	sst s5  }
0xe: {  	[smem:$0x3FB0] =	sst s6  }
0xf: {  	[smem:$0x3FB1] =	sst s7  }
0x10: {  	[smem:$0x3FB2] =	sst s8  }
0x11: {  	[smem:$0x3FB3] =	sst s9;
	s0 =	simm.s32 @!p0 $0x0  }
0x12: {  	s1 =	sld [smem:$0x3F99];
	s0 =	simm.s32 @p0 $0x1  }
0x13: {  	[smem:$0x3FB4] =	sst s0;
	s0 =	simm.s32 @!p1 $0x0  }
0x14: {  	s2 =	sld [smem:$0x3F98];
	s0 =	simm.s32 @p1 $0x1  }
0x15: {  	[smem:$0x3FB5] =	sst s0;
	s0 =	simm.s32 @!p2 $0x0  }
0x16: {  	s3 =	sld [smem:$0x3FDB];
	s0 =	simm.s32 @p2 $0x1  }
0x17: {  	s4 =	simm.s32 $0x1BF5;
	[smem:$0x3FB7] =	sst s0  }
0x18: {  	s0 =	sld [smem:$0x3F9A];
	_ =	swait.ge [sflag:s4], $0x0  }
0x19: {  	s7 =	sld [smem:$0x3F9B]  }
0x1a: {  	s8 =	sadd.s32 $0xFFFFE003, lr  }
0x1b: {  	s9 =	sadd.s32 $0xFFFFFEF7, lr;
	s5 =	simm.s32 $0xFFFFFFFF;
	p2 =	slt.u32 s8, $0xFFFFF086  }
0x1c: {  	p1 =	slt.u32 s9, $0xF7A;
	s5 =	simm.s32 @!p2 $0x0  }
0x1d: {  	s5 =	simm.s32 @p1 $0x1;
	p0 =	seq.s32 s7, s2  }
0x1e: {  	s7 =	smul.u32 @!p0 $0xF7A, s2;
	p2 =	seq.s32 @!p0 s5, $0x0  }
0x1f: {  	s9 =	smul.u32 $0xF7A, s1;
	s8 =	simm.s32 @!p0 $0x1BF5;
	p2 =	por !p2, p0  }
0x20: {  	[sflag:s8] =	ssyncset.s32 @!p0 $0xFFFFF086;
	s6 =	sadd.s32 @!p0 s3, s7;
	s7 =	simm.s32 @!p0 $0x108  }
0x21: {  	s3 =	sadd.s32 s3, s9;
	s6 =	sadd.s32 @!p0 $0x88, s6;
	s7 =	simm.s32 @p2 $0x1082  }
0x22: {  	[simem:s7], [sflag:s8] =	dma.local @!p0 [hbm:s6], $0xF7A  }
0x23: {  	s9 =	sor.u32 $0xD0000000, s2;
	s6 =	simm.s32 $0x108;
	_ =	swait.ge @!p0 [sflag:s8], $0x0  }
0x24: {  	s3 =	sadd.s32 $0x88, s3;
	s6 =	simm.s32 @!p1 $0x1082;
	[sflag:s4] =	ssyncset.s32 $0xFFFFF086  }
0x25: {  	[simem:s6], [sflag:s4] =	dma.local [hbm:s3], $0xF7A  }
0x26: {  	[smem:$0x3F9B] =	sst s1;
	(tag) =	ssettag s2;
	_ =	strace s9  }
0x27: {  	s1 =	sld [smem:$0x3FAB]  }
0x28: {  	s2 =	sld [smem:$0x3FAC]  }
0x29: {  	s4 =	sld [smem:$0x3FAE]  }
0x2a: {  	p0 =	seq.s32 s5, $0x0;
	s5 =	sld [smem:$0x3FAF]  }
0x2b: {  	s6 =	sld [smem:$0x3FB0]  }
0x2c: {  	s7 =	sld [smem:$0x3FB1]  }
0x2d: {  	s3 =	simm.s32 $0x108;
	s8 =	sld [smem:$0x3FB2]  }
0x2e: {  	s3 =	simm.s32 @!p0 $0x1082;
	s9 =	sld [smem:$0x3FB3]  }
0x2f: {  	lr =	sadd.s32 s0, s3;
	s0 =	sld [smem:$0x3FAA]  }
0x30: {  	s3 =	sld [smem:$0x3FAD]  }
0x31: {  	[smem:$0x3FB6] =	sst s10  }
0x32: {  	s10 =	sld [smem:$0x3FB4];
	_ =	sdelay $0x3  }
0x33: {  	p0 =	seq.s32 s10, $0x1;
	s10 =	sld [smem:$0x3FB6];
	_ =	sdelay $0x3  }
0x34: {  	[smem:$0x3FB6] =	sst s10  }
0x35: {  	s10 =	sld [smem:$0x3FB5];
	_ =	sdelay $0x3  }
0x36: {  	p1 =	seq.s32 s10, $0x1;
	s10 =	sld [smem:$0x3FB6];
	_ =	sdelay $0x3  }
0x37: {  	[smem:$0x3FB6] =	sst s10  }
0x38: {  	s10 =	sld [smem:$0x3FB7]  }
0x39: {  	_ = 	snop;
	(pc) =	sbr.ind lr, $3  }
0x3a: {  	_ = 	snop  }
0x3b: {  	_ = 	snop  }
0x3c: {  	p2 =	seq.s32 s10, $0x1;
	s10 =	sld [smem:$0x3FB6]  }
0x3d: {  	_ =	shalt  }
0x3e: {  	_ =	shalt  }
0x3f: {  	_ =	shalt  }
0x40: {  	_ =	shalt  }
0x41: {  	_ =	shalt  }
0x42: {  	_ =	shalt  }
0x43: {  	_ =	shalt  }
0x44: {  	_ =	shalt  }
0x45: {  	_ =	shalt  }
0x46: {  	_ =	shalt  }
0x47: {  	_ =	shalt  }
0x48: {  	_ =	shalt  }
0x49: {  	_ =	shalt  }
0x4a: {  	_ =	shalt  }
0x4b: {  	_ =	shalt  }
0x4c: {  	_ =	shalt  }
0x4d: {  	_ =	shalt  }
0x4e: {  	_ =	shalt  }
0x4f: {  	_ =	shalt  }
0x50: {  	_ =	shalt  }
0x51: {  	_ =	shalt  }
0x52: {  	_ =	shalt  }
0x53: {  	_ =	shalt  }
0x54: {  	_ =	shalt  }
0x55: {  	_ =	shalt  }
0x56: {  	_ =	shalt  }
0x57: {  	_ =	shalt  }
0x58: {  	_ =	shalt  }
0x59: {  	_ =	shalt  }
0x5a: {  	_ =	shalt  }
0x5b: {  	_ =	shalt  }
0x5c: {  	_ =	shalt  }
0x5d: {  	_ =	shalt  }
0x5e: {  	_ =	shalt  }
0x5f: {  	_ =	shalt  }
0x60: {  	_ =	shalt  }
0x61: {  	_ =	shalt  }
0x62: {  	_ =	shalt  }
0x63: {  	_ =	shalt  }
0x64: {  	_ =	shalt  }
0x65: {  	_ =	shalt  }
0x66: {  	_ =	shalt  }
0x67: {  	_ =	shalt  }
0x68: {  	_ =	shalt  }
0x69: {  	_ =	shalt  }
0x6a: {  	_ =	shalt  }
0x6b: {  	_ =	shalt  }
0x6c: {  	_ =	shalt  }
0x6d: {  	_ =	shalt  }
0x6e: {  	_ =	shalt  }
0x6f: {  	_ =	shalt  }
0x70: {  	_ =	shalt  }
0x71: {  	_ =	shalt  }
0x72: {  	_ =	shalt  }
0x73: {  	_ =	shalt  }
0x74: {  	_ =	shalt  }
0x75: {  	_ =	shalt  }
0x76: {  	_ =	shalt  }
0x77: {  	_ =	shalt  }
0x78: {  	_ =	shalt  }
0x79: {  	_ =	shalt  }
0x7a: {  	_ =	shalt  }
0x7b: {  	_ =	shalt  }
0x7c: {  	_ =	shalt  }
0x7d: {  	_ =	shalt  }
0x7e: {  	_ =	shalt  }
0x7f: {  	_ =	shalt  }
0x80: {  	_ =	shalt  }
0x81: {  	_ =	shalt  }
0x82: {  	_ =	shalt  }
0x83: {  	_ =	shalt  }
0x84: {  	_ =	shalt  }
0x85: {  	_ =	shalt  }
0x86: {  	_ =	shalt  }
0x87: {  	_ =	shalt  }
.Lfunc_end0:
.L_simem_size_0:
called_computation_lowered:
.L_overlay_start_0:
0x88: {  	s2 =	sld [smem:$0x3FD9]  }
0x89: {  	s3 =	sld [smem:$0x3FFE];
	_ =	sdelay $0x1  }
0x8a: {  	s1 =	srdreg.scid  }
0x8b: {  	s0 =	sand.u32 $0x1, s1  }
0x8c: {  	s17 =	sshll.u32 s0, $0xA;
	s2 =	sadd.s32 s3, s2  }
0x8d: {  	s2 =	sadd.s32 s2, s17  }
0x8e: {  	[smem:$0x3FC2] =	sst s2  }
0x8f: {  	_ = 	snop  }
0x90: {  	s2 =	sld [smem:$0x3FD0];
	(tm) =	ssettm $0x1  }
0x91: {  	s18 =	sld [smem:$0x3FFB];
	_ =	sdelay $0x3  }
0x92: {  	_ =	strace s18  }
0x93: {  	s3 =	sld [smem:$0x3FFC];
	_ =	sdelay $0x3  }
0x94: {  	_ =	strace s3  }
0x95: {  	s3 =	sld [smem:$0x3FFD];
	_ =	sdelay $0x3  }
0x96: {  	_ =	strace s3  }
0x97: {  	_ =	strace $0x8FFFFFFF  }
0x98: {  	s19 =	sld [smem:$0x3FDB];
	_ =	sdelay $0x1  }
0x99: {  	s4 =	simm.s32 $_scs_section_size  }
0x9a: {  	s5 =	simm.s32 $_size__tile_overlayer_lowered;
	s6 =	simm.s32 $_tile_overlayer_lowered  }
0x9b: {  	s22 =	simm.s32 $0x1BFF;
	s21 =	sshll.u32 s6, $0x1;
	s3 =	sadd.s32 s4, s19  }
0x9c: {  	s7 =	simm.s32 $0x0;
	s20 =	sshll.u32 s5, $0x1;
	s5 =	sadd.s32 s21, s3  }
0x9d: {  	[timem:s7], [sflag:s22] =	dma.local [hbm:s5], s20  }
0x9e: {  	_ =	swait.ge [sflag:s22], s20  }
0x9f: {  	s4 =	ssub.s32 $0x0, s20;
	[sflag:s22] =	ssyncset.done $0x0  }
0xa0: {  	[sflag:s22] =	ssyncadd.s32 s4;
	_ =	sdelay $0x1  }
0xa1: {  	s23 =	simm.s32 $0x1B8B  }
0xa2: {  	_ =	swait.ge [sflag:s23], $0x1  }
0xa3: {  	[sflag:s23] =	ssyncset.done $0x0  }
0xa4: {  	s25 =	simm.s32 $0x1B8E;
	s24 =	sld [smem:$0x3FFE];
	[sflag:s23] =	ssyncadd.s32 $0xFFFFFFFF  }
0xa5: {  	s26 =	simm.s32 $execute0_lowered;
	[smem:$0x3FD2] =	sst s25  }
0xa6: {  	s5 =	sshll.u32 s26, $0x1;
	_ =	strace $0x80000046;
	[dreg:$0x1] =	wrdreg $0xFFFFFFFF  }
0xa7: {  	s28 =	simm.s32 $_size_execute0_lowered;
	s3 =	sadd.s32 s3, s5;
	[dreg:$0x0] =	wrdreg $0x0  }
0xa8: {  	s5 =	sshll.u32 s28, $0x1;
	[dreg:$0x2] =	wrdreg s3  }
0xa9: {  	[dreg:$0x3] =	wrdreg s5  }
0xaa: {  	[dreg:$0x4] =	wrdreg $0xC0  }
0xab: {  	_ =	task [dreg:s7], $0x5FFFF  }
0xac: {  	[dreg:$0x1] =	wrdreg $0xFFFFFFFF  }
0xad: {  	[dreg:$0x0] =	wrdreg $0x60  }
0xae: {  	[dreg:$0x2] =	wrdreg s2  }
0xaf: {  	[dreg:$0x3] =	wrdreg s24  }
0xb0: {  	[dreg:$0x4] =	wrdreg $0xA8000  }
0xb1: {  	[dreg:$0x5] =	wrdreg $0x9  }
0xb2: {  	_ =	task.clear_ibuf [dreg:s7], $0x6FFFF;
	_ =	strace $0x90000046  }
0xb3: {  	s29 =	simm.s32 $0x9;
	_ =	strace $0x80000048  }
0xb4: {  	_ =	swait.ge [sflag:s29], $0x1  }
0xb5: {  	[sflag:s29] =	ssyncadd.s32 $0xFFFFFFFF  }
0xb6: {  	_ =	strace $0x90000048  }
0xb7: {  	_ =	sfence  }
0xb8: {  	s30 =	sld [smem:$0x0];
	_ =	sdelay $0x2  }
0xb9: {  	s31 =	sshll.u32 s1, $0xD;
	s1 =	sshrl.u32 s1, $0x2  }
0xba: {  	s3 =	sand.u32 $0x4000, s31;
	s1 =	sadd.s32 s1, s30  }
0xbb: {  	s0 =	sor.u32 s3, s0;
	s1 =	sshll.u32 s1, $0x11  }
0xbc: {  	s0 =	sor.u32 s1, s0  }
0xbd: {  	s0 =	sadd.s32 $0x8F2B, s0  }
0xbe: {  	[sflag:s0] =	ssyncadd.remote.s32 $0x1  }
0xbf: {  	_ =	sfence.sel $0xFFFF  }
0xc0: {  	[dreg:$0x0] =	wrdreg $0xFFFFFFFF;
	(pc) =	sbr.abs _section_cstart, $3  }
0xc1: {  	[dreg:$0x1] =	wrdreg $0xFFFFFFFF  }
0xc2: {  	_ =	task.clear_ibuf [dreg:s7], $0x2FFFF;
	_ =	strace $0x9FFFFFFF  }
0xc3: {  	(tm) =	ssettm $0x7FFFFFFF  }
tec
execute0_lowered:
.L_overlay_start_1:
0x0: {  	(tag) =	ssettag $0x1  }
0x1: {  	s2 =	rddreg [dreg:$0x0]  }
0x2: {  	s0 =	srdreg.scid;
	s5 =	rddreg [dreg:$0x1]  }
0x3: {  	s9 =	stileid.u32;
	s3 =	rddreg [dreg:$0x2];
	s4 =	simm.s32 $0x0  }
0x4: {  	s14 =	simm.s32 $0x2800;
	s15 =	simm.s32 $0x3;
	s17 =	simm.s32 $0x20  }
0x5: {  	s18 =	simm.s32 $0x3800;
	s19 =	simm.s32 $0x40;
	s20 =	simm.s32 $0x4800  }
0x6: {  	s21 =	simm.s32 $0x60;
	s28 =	simm.s32 $0xC0;
	s29 =	simm.s32 $0x8800  }
0x7: {  	s30 =	simm.s32 $0xE0;
	s31 =	simm.s32 $0x9800;
	s6 =	smul.u32 $0x500, s9  }
0x8: {  	s0 =	sand.u32 $0x1, s0;
	s7 =	smul.u32 $0x2780, s9;
	[smem:$0x7FF] =	sst s4  }
0x9: {  	s1 =	sshll.u32 s0, $0x4;
	s8 =	smul.u32 $0x27800, s0;
	_ =	strace $0x80000047  }
0xa: {  	s0 =	ssub.s32 $0x2, s0;
	s1 =	sor.u32 s9, s1;
	s9 =	smul.u32 $0x4F000, s9  }
0xb: {  	s6 =	sadd.s32 s6, s5;
	s23 =	sshrl.u32 s0, $0x1;
	s1 =	smul.u32 $0x500, s1  }
0xc: {  	s7 =	sadd.s32 s7, s8;
	s0 =	ssub.s32 s0, s23;
	s11 =	sadd.s32 $0x800, s6  }
0xd: {  	s23 =	simm.s32 $0x80;
	s6 =	simm.s32 $0x2700;
	s22 =	sshrl.u32 s9, $0x2  }
0xe: {  	s7 =	sadd.s32 s7, s5;
	s1 =	sadd.s32 s1, s5;
	s5 =	sadd.s32 s22, s3  }
0xf: {  	s13 =	smax.u32 s0, $0x1;
	s0 =	simm.s32 $0x2;
	s8 =	sadd.s32 $0x4000, s5  }
0x10: {  	s12 =	sadd.s32 $0xF800, s7;
	s24 =	sadd.s32 $0x8000, s5;
	[dreg:$0x4] =	wrdreg s8  }
0x11: {  	s22 =	simm.s32 $0x5800;
	s25 =	sadd.s32 $0xC000, s5;
	[dreg:$0x5] =	wrdreg s24  }
0x12: {  	s7 =	simm.s32 $0x2780;
	s26 =	sadd.s32 $0x10000, s5;
	[dreg:$0x6] =	wrdreg s25  }
0x13: {  	s10 =	sadd.s32 $0x5800, s1;
	s1 =	simm.s32 $0x1;
	[dreg:$0x7] =	wrdreg s26  }
0x14: {  	v0 =	vimm.f32 $0.0e+00;
	s24 =	simm.s32 $0x6800;
	s25 =	simm.s32 $0xA0;
	s26 =	simm.s32 $0x7800  }
.LBB2_1:
0x15: {  	s8 =	simm.s32 $0x0;
	s9 =	simm.s32 $0x200  }
.LBB2_2:
0x16: {  	p0 =	sne.s32 s9, $0xFE00;
	[tilespmem:s8+$0x2870] =	vst v0  }
0x17: {  	[tilespmem:s8+$0x2800] =	vst v0  }
0x18: {  	[tilespmem:s8+$0x2810] =	vst v0  }
.Ltmp0:
0x19: {  	[tilespmem:s8+$0x2820] =	vst v0;
	(pc) =	sbr.rel @p0 .LBB2_2-.Ltmp0, $4  }
0x1a: {  	[tilespmem:s8+$0x2830] =	vst v0  }
0x1b: {  	[tilespmem:s8+$0x2840] =	vst v0  }
0x1c: {  	[tilespmem:s8+$0x2850] =	vst v0  }
0x1d: {  	[tilespmem:s8+$0x2860] =	vst v0;
	s8 =	sshra.s32 s9, $0x2;
	s9 =	sadd.s32 $0x200, s9  }
0x1e: {  	[tilespmem:s8+$0x2870] =	vst v0  }
0x1f: {  	[tilespmem:s8+$0x2800] =	vst v0  }
0x20: {  	[tilespmem:s8+$0x2810] =	vst v0  }
0x21: {  	[tilespmem:s8+$0x2820] =	vst v0  }
0x22: {  	[tilespmem:s8+$0x2830] =	vst v0  }
0x23: {  	[tilespmem:s8+$0x2840] =	vst v0  }
0x24: {  	[tilespmem:s8+$0x2850] =	vst v0  }
0x25: {  	[tilespmem:s8+$0x2860] =	vst v0  }
0x26: {  	[spmem:s5] =	stream.linear.scatter [tilespmem:s14], [sflag:$0x3], $0x4000, $0x38;
	[tilespmem:$0x1E400] =	vst v63  }
0x27: {  	_ =	swait.ge [sflag:s15], $0x4000  }
0x28: {  	[sflag:s15] =	ssyncset.done $0x0  }
0x29: {  	s16 =	rddreg [dreg:$0x4];
	[sflag:s15] =	ssyncadd.s32 $0xFFFFC000  }
0x2a: {  	[spmem:s16] =	stream.linear.scatter [tilespmem:s14], [sflag:$0x3], $0x4000, $0x38;
	[tilespmem:$0x1E400] =	vst v63  }
0x2b: {  	_ =	swait.ge [sflag:s15], $0x4000  }
0x2c: {  	[sflag:s15] =	ssyncset.done $0x0  }
0x2d: {  	s9 =	rddreg [dreg:$0x5];
	[sflag:s15] =	ssyncadd.s32 $0xFFFFC000  }
0x2e: {  	[spmem:s9] =	stream.linear.scatter [tilespmem:s14], [sflag:$0x3], $0x4000, $0x38;
	[tilespmem:$0x1E400] =	vst v63  }
0x2f: {  	_ =	swait.ge [sflag:s15], $0x4000  }
0x30: {  	[sflag:s15] =	ssyncset.done $0x0  }
0x31: {  	s16 =	rddreg [dreg:$0x6];
	[sflag:s15] =	ssyncadd.s32 $0xFFFFC000  }
0x32: {  	[spmem:s16] =	stream.linear.scatter [tilespmem:s14], [sflag:$0x3], $0x4000, $0x38;
	[tilespmem:$0x1E400] =	vst v63  }
0x33: {  	_ =	swait.ge [sflag:s15], $0x4000  }
0x34: {  	[sflag:s15] =	ssyncset.done $0x0  }
0x35: {  	s9 =	rddreg [dreg:$0x7];
	[sflag:s15] =	ssyncadd.s32 $0xFFFFC000  }
0x36: {  	[spmem:s9] =	stream.linear.scatter [tilespmem:s14], [sflag:$0x3], $0x3C00, $0x38;
	[tilespmem:$0x1E400] =	vst v63  }
0x37: {  	_ =	swait.ge [sflag:s15], $0x3C00  }
0x38: {  	[sflag:s15] =	ssyncset.done $0x0  }
0x39: {  	[sflag:s15] =	ssyncadd.s32 $0xFFFFC400  }
0x3a: {  	s16 =	simm.s32 $0x0;
	[bflag:$0x0] =	sbarrier.arrive $0xFFFF  }
0x3b: {  	[tilespmem:s16], [sflag:$0x3] =	stream.linear.gather [hbm4b:s10+s16], $0x1400, $0x38;
	[tilespmem:$0x1E400] =	vst v63  }
0x3c: {  	_ =	swait.ge [sflag:s15], $0x1400  }
0x3d: {  	[sflag:s15] =	ssyncset.done $0x0  }
0x3e: {  	s9 =	simm.s32 $0x1400;
	[sflag:s15] =	ssyncadd.s32 $0xFFFFEC00  }
0x3f: {  	[tilespmem:s9], [sflag:$0x3] =	stream.linear.gather [hbm4b:s11+s16], $0x1400, $0x38;
	[tilespmem:$0x1E400] =	vst v63  }
0x40: {  	_ =	swait.ge [sflag:s15], $0x1400  }
0x41: {  	[sflag:s15] =	ssyncset.done $0x0  }
0x42: {  	[sflag:s15] =	ssyncadd.s32 $0xFFFFEC00  }
0x43: {  	[tilespmem:s14], [sflag:$0x1] =	stream.indirect.gather [hbm4b:s2+s17], $0x80, s16, s17, $0xb8;
	[tilespmem:$0x1E400] =	vst v63  }
0x44: {  	_ = 	snop  }
0x45: {  	[tilespmem:s18], [sflag:$0x1] =	stream.indirect.gather [hbm4b:s2+s17], $0x80, s17, s17, $0xb8;
	[tilespmem:$0x1E400] =	vst v63  }
0x46: {  	_ = 	snop  }
0x47: {  	[tilespmem:s20], [sflag:$0x1] =	stream.indirect.gather [hbm4b:s2+s17], $0x80, s19, s17, $0xb8;
	[tilespmem:$0x1E400] =	vst v63  }
0x48: {  	_ = 	snop  }
0x49: {  	[tilespmem:s22], [sflag:$0x1] =	stream.indirect.gather [hbm4b:s2+s17], $0x80, s21, s17, $0xb8;
	[tilespmem:$0x1E400] =	vst v63  }
0x4a: {  	_ = 	snop  }
0x4b: {  	[tilespmem:s24], [sflag:$0x2] =	stream.indirect.gather [hbm4b:s2+s17], $0x80, s23, s17, $0xb8;
	[tilespmem:$0x1E400] =	vst v63  }
0x4c: {  	_ = 	snop  }
0x4d: {  	[tilespmem:s26], [sflag:$0x2] =	stream.indirect.gather [hbm4b:s2+s17], $0x80, s25, s17, $0xb8;
	[tilespmem:$0x1E400] =	vst v63  }
0x4e: {  	_ = 	snop  }
0x4f: {  	[tilespmem:s29], [sflag:$0x2] =	stream.indirect.gather [hbm4b:s2+s17], $0x80, s28, s17, $0xb8;
	[tilespmem:$0x1E400] =	vst v63  }
0x50: {  	_ = 	snop  }
0x51: {  	[tilespmem:s31], [sflag:$0x2] =	stream.indirect.gather [hbm4b:s2+s17], $0x80, s30, s17, $0xb8;
	[tilespmem:$0x1E400] =	vst v63  }
0x52: {  	_ =	swait.ge [sflag:s1], $0x4000  }
0x53: {  	[sflag:s1] =	ssyncset.done $0x0  }
0x54: {  	s16 =	simm.s32 $0x1400;
	[sflag:s1] =	ssyncadd.s32 $0xFFFFC000  }
0x55: {  	[spmem:s3] =	stream.indirect.scatter.add.f32 [tilespmem:s14], [sflag:$0x3], $0x80, s16, s23, $0xb8;
	[tilespmem:$0x1E400] =	vst v63  }
0x56: {  	_ =	swait.ge [sflag:s15], $0x4000  }
0x57: {  	[sflag:s15] =	ssyncset.done $0x0  }
0x58: {  	s9 =	simm.s32 $0x100;
	[sflag:s15] =	ssyncadd.s32 $0xFFFFC000  }
0x59: {  	[tilespmem:s14], [sflag:$0x1] =	stream.indirect.gather [hbm4b:s2+s17], $0x80, s9, s17, $0xb8;
	[tilespmem:$0x1E400] =	vst v63  }
0x5a: {  	s16 =	simm.s32 $0x120  }
0x5b: {  	[tilespmem:s18], [sflag:$0x1] =	stream.indirect.gather [hbm4b:s2+s17], $0x80, s16, s17, $0xb8;
	[tilespmem:$0x1E400] =	vst v63  }
0x5c: {  	s9 =	simm.s32 $0x140  }
0x5d: {  	[tilespmem:s20], [sflag:$0x1] =	stream.indirect.gather [hbm4b:s2+s17], $0x80, s9, s17, $0xb8;
	[tilespmem:$0x1E400] =	vst v63  }
0x5e: {  	s16 =	simm.s32 $0x160  }
0x5f: {  	[tilespmem:s22], [sflag:$0x1] =	stream.indirect.gather [hbm4b:s2+s17], $0x80, s16, s17, $0xb8;
	[tilespmem:$0x1E400] =	vst v63  }
0x60: {  	_ =	swait.ge [sflag:s0], $0x4000  }
0x61: {  	[sflag:s0] =	ssyncset.done $0x0  }
0x62: {  	s9 =	simm.s32 $0x1480;
	[sflag:s0] =	ssyncadd.s32 $0xFFFFC000  }
0x63: {  	[spmem:s3] =	stream.indirect.scatter.add.f32 [tilespmem:s24], [sflag:$0x3], $0x80, s9, s23, $0xb8;
	[tilespmem:$0x1E400] =	vst v63  }
0x64: {  	_ =	swait.ge [sflag:s15], $0x4000  }
0x65: {  	[sflag:s15] =	ssyncset.done $0x0  }
0x66: {  	s16 =	simm.s32 $0x180;
	[sflag:s15] =	ssyncadd.s32 $0xFFFFC000  }
0x67: {  	[tilespmem:s24], [sflag:$0x2] =	stream.indirect.gather [hbm4b:s2+s17], $0x80, s16, s17, $0xb8;
	[tilespmem:$0x1E400] =	vst v63  }
0x68: {  	s9 =	simm.s32 $0x1A0  }
0x69: {  	[tilespmem:s26], [sflag:$0x2] =	stream.indirect.gather [hbm4b:s2+s17], $0x80, s9, s17, $0xb8;
	[tilespmem:$0x1E400] =	vst v63  }
0x6a: {  	s8 =	simm.s32 $0x400;
	s16 =	simm.s32 $0x1C0;
	s9 =	simm.s32 $0x1E0  }
0x6b: {  	[tilespmem:s29], [sflag:$0x2] =	stream.indirect.gather [hbm4b:s2+s17], $0x80, s16, s17, $0xb8;
	[tilespmem:$0x1E400] =	vst v63  }
.LBB2_4:
0x6c: {  	[tilespmem:s31], [sflag:$0x2] =	stream.indirect.gather [hbm4b:s2+s17], $0x80, s9, s17, $0xb8;
	[tilespmem:$0x1E400] =	vst v63  }
0x6d: {  	s9 =	smov.u32 s8  }
0x6e: {  	p0 =	sne.s32 s8, $0x4800;
	s8 =	sadd.s32 $0x400, s8;
	_ =	swait.ge [sflag:s1], $0x4000  }
0x6f: {  	s9 =	sshra.s32 s9, $0x2;
	[sflag:s1] =	ssyncset.done $0x0  }
0x70: {  	s16 =	sadd.s32 $0x1400, s9;
	[sflag:s1] =	ssyncadd.s32 $0xFFFFC000  }
0x71: {  	[spmem:s3] =	stream.indirect.scatter.add.f32 [tilespmem:s14], [sflag:$0x3], $0x80, s16, s23, $0xb8;
	[tilespmem:$0x1E400] =	vst v63  }
0x72: {  	_ =	swait.ge [sflag:s15], $0x4000  }
0x73: {  	[sflag:s15] =	ssyncset.done $0x0  }
0x74: {  	s16 =	sadd.s32 $0x100, s9;
	[sflag:s15] =	ssyncadd.s32 $0xFFFFC000  }
0x75: {  	[tilespmem:s14], [sflag:$0x1] =	stream.indirect.gather [hbm4b:s2+s17], $0x80, s16, s17, $0xb8;
	[tilespmem:$0x1E400] =	vst v63  }
0x76: {  	s16 =	sadd.s32 $0x120, s9  }
0x77: {  	[tilespmem:s18], [sflag:$0x1] =	stream.indirect.gather [hbm4b:s2+s17], $0x80, s16, s17, $0xb8;
	[tilespmem:$0x1E400] =	vst v63  }
0x78: {  	s16 =	sadd.s32 $0x140, s9  }
0x79: {  	[tilespmem:s20], [sflag:$0x1] =	stream.indirect.gather [hbm4b:s2+s17], $0x80, s16, s17, $0xb8;
	[tilespmem:$0x1E400] =	vst v63  }
0x7a: {  	s16 =	sadd.s32 $0x160, s9  }
0x7b: {  	[tilespmem:s22], [sflag:$0x1] =	stream.indirect.gather [hbm4b:s2+s17], $0x80, s16, s17, $0xb8;
	[tilespmem:$0x1E400] =	vst v63  }
0x7c: {  	_ =	swait.ge [sflag:s0], $0x4000  }
0x7d: {  	[sflag:s0] =	ssyncset.done $0x0  }
0x7e: {  	s16 =	sadd.s32 $0x1480, s9;
	[sflag:s0] =	ssyncadd.s32 $0xFFFFC000  }
0x7f: {  	[spmem:s3] =	stream.indirect.scatter.add.f32 [tilespmem:s24], [sflag:$0x3], $0x80, s16, s23, $0xb8;
	[tilespmem:$0x1E400] =	vst v63  }
0x80: {  	_ =	swait.ge [sflag:s15], $0x4000  }
0x81: {  	[sflag:s15] =	ssyncset.done $0x0  }
0x82: {  	s16 =	sadd.s32 $0x180, s9;
	[sflag:s15] =	ssyncadd.s32 $0xFFFFC000  }
0x83: {  	[tilespmem:s24], [sflag:$0x2] =	stream.indirect.gather [hbm4b:s2+s17], $0x80, s16, s17, $0xb8;
	[tilespmem:$0x1E400] =	vst v63  }
.Ltmp1:
0x84: {  	s16 =	sadd.s32 $0x1A0, s9;
	(pc) =	sbr.rel @p0 .LBB2_4-.Ltmp1, $4  }
0x85: {  	[tilespmem:s26], [sflag:$0x2] =	stream.indirect.gather [hbm4b:s2+s17], $0x80, s16, s17, $0xb8;
	[tilespmem:$0x1E400] =	vst v63  }
0x86: {  	s16 =	sadd.s32 $0x1C0, s9  }
0x87: {  	[tilespmem:s29], [sflag:$0x2] =	stream.indirect.gather [hbm4b:s2+s17], $0x80, s16, s17, $0xb8;
	[tilespmem:$0x1E400] =	vst v63  }
0x88: {  	s9 =	sadd.s32 $0x1E0, s9  }
0x89: {  	[tilespmem:s31], [sflag:$0x2] =	stream.indirect.gather [hbm4b:s2+s17], $0x80, s9, s17, $0xb8;
	[tilespmem:$0x1E400] =	vst v63  }
0x8a: {  	_ =	swait.ge [sflag:s1], $0x4000  }
0x8b: {  	[sflag:s1] =	ssyncset.done $0x0  }
0x8c: {  	[sflag:s1] =	ssyncadd.s32 $0xFFFFC000  }
0x8d: {  	[spmem:s3] =	stream.indirect.scatter.add.f32 [tilespmem:s14], [sflag:$0x3], $0x80, s6, s23, $0xb8;
	[tilespmem:$0x1E400] =	vst v63  }
0x8e: {  	_ =	swait.ge [sflag:s15], $0x4000  }
0x8f: {  	[sflag:s15] =	ssyncset.done $0x0  }
0x90: {  	[sflag:s15] =	ssyncadd.s32 $0xFFFFC000  }
0x91: {  	_ =	swait.ge [sflag:s0], $0x4000  }
0x92: {  	[sflag:s0] =	ssyncset.done $0x0  }
0x93: {  	[sflag:s0] =	ssyncadd.s32 $0xFFFFC000  }
0x94: {  	[spmem:s3] =	stream.indirect.scatter.add.f32 [tilespmem:s24], [sflag:$0x3], $0x80, s7, s23, $0xb8;
	[tilespmem:$0x1E400] =	vst v63  }
0x95: {  	_ =	swait.ge [sflag:s15], $0x4000  }
0x96: {  	[sflag:s15] =	ssyncset.done $0x0  }
0x97: {  	s8 =	sadd.s32 $0x280, s10;
	s9 =	simm.s32 $0x0;
	[sflag:s15] =	ssyncadd.s32 $0xFFFFC000  }
0x98: {  	[tilespmem:s9], [sflag:$0x3] =	stream.linear.gather [hbm4b:s8+s9], $0x1400, $0x38;
	[tilespmem:$0x1E400] =	vst v63  }
0x99: {  	_ =	swait.ge [sflag:s15], $0x1400  }
0x9a: {  	[sflag:s15] =	ssyncset.done $0x0  }
0x9b: {  	s16 =	simm.s32 $0x1400;
	s8 =	sadd.s32 $0x280, s11;
	[sflag:s15] =	ssyncadd.s32 $0xFFFFEC00  }
0x9c: {  	[tilespmem:s16], [sflag:$0x3] =	stream.linear.gather [hbm4b:s8+s9], $0x1400, $0x38;
	[tilespmem:$0x1E400] =	vst v63  }
0x9d: {  	_ =	swait.ge [sflag:s15], $0x1400  }
0x9e: {  	[sflag:s15] =	ssyncset.done $0x0  }
0x9f: {  	[sflag:s15] =	ssyncadd.s32 $0xFFFFEC00  }
0xa0: {  	[tilespmem:s14], [sflag:$0x1] =	stream.indirect.gather [hbm4b:s2+s17], $0x80, s9, s17, $0xb8;
	[tilespmem:$0x1E400] =	vst v63  }
0xa1: {  	_ = 	snop  }
0xa2: {  	[tilespmem:s18], [sflag:$0x1] =	stream.indirect.gather [hbm4b:s2+s17], $0x80, s17, s17, $0xb8;
	[tilespmem:$0x1E400] =	vst v63  }
0xa3: {  	_ = 	snop  }
0xa4: {  	[tilespmem:s20], [sflag:$0x1] =	stream.indirect.gather [hbm4b:s2+s17], $0x80, s19, s17, $0xb8;
	[tilespmem:$0x1E400] =	vst v63  }
0xa5: {  	_ = 	snop  }
0xa6: {  	[tilespmem:s22], [sflag:$0x1] =	stream.indirect.gather [hbm4b:s2+s17], $0x80, s21, s17, $0xb8;
	[tilespmem:$0x1E400] =	vst v63  }
0xa7: {  	_ = 	snop  }
0xa8: {  	[tilespmem:s24], [sflag:$0x2] =	stream.indirect.gather [hbm4b:s2+s17], $0x80, s23, s17, $0xb8;
	[tilespmem:$0x1E400] =	vst v63  }
0xa9: {  	_ = 	snop  }
0xaa: {  	[tilespmem:s26], [sflag:$0x2] =	stream.indirect.gather [hbm4b:s2+s17], $0x80, s25, s17, $0xb8;
	[tilespmem:$0x1E400] =	vst v63  }
0xab: {  	_ = 	snop  }
0xac: {  	[tilespmem:s29], [sflag:$0x2] =	stream.indirect.gather [hbm4b:s2+s17], $0x80, s28, s17, $0xb8;
	[tilespmem:$0x1E400] =	vst v63  }
0xad: {  	_ = 	snop  }
0xae: {  	[tilespmem:s31], [sflag:$0x2] =	stream.indirect.gather [hbm4b:s2+s17], $0x80, s30, s17, $0xb8;
	[tilespmem:$0x1E400] =	vst v63  }
0xaf: {  	_ =	swait.ge [sflag:s1], $0x4000  }
0xb0: {  	[sflag:s1] =	ssyncset.done $0x0  }
0xb1: {  	s16 =	simm.s32 $0x1400;
	[sflag:s1] =	ssyncadd.s32 $0xFFFFC000  }
0xb2: {  	[spmem:s3] =	stream.indirect.scatter.add.f32 [tilespmem:s14], [sflag:$0x3], $0x80, s16, s23, $0xb8;
	[tilespmem:$0x1E400] =	vst v63  }
0xb3: {  	_ =	swait.ge [sflag:s15], $0x4000  }
0xb4: {  	[sflag:s15] =	ssyncset.done $0x0  }
0xb5: {  	s9 =	simm.s32 $0x100;
	[sflag:s15] =	ssyncadd.s32 $0xFFFFC000  }
0xb6: {  	[tilespmem:s14], [sflag:$0x1] =	stream.indirect.gather [hbm4b:s2+s17], $0x80, s9, s17, $0xb8;
	[tilespmem:$0x1E400] =	vst v63  }
0xb7: {  	s16 =	simm.s32 $0x120  }
0xb8: {  	[tilespmem:s18], [sflag:$0x1] =	stream.indirect.gather [hbm4b:s2+s17], $0x80, s16, s17, $0xb8;
	[tilespmem:$0x1E400] =	vst v63  }
0xb9: {  	s9 =	simm.s32 $0x140  }
0xba: {  	[tilespmem:s20], [sflag:$0x1] =	stream.indirect.gather [hbm4b:s2+s17], $0x80, s9, s17, $0xb8;
	[tilespmem:$0x1E400] =	vst v63  }
0xbb: {  	s16 =	simm.s32 $0x160  }
0xbc: {  	[tilespmem:s22], [sflag:$0x1] =	stream.indirect.gather [hbm4b:s2+s17], $0x80, s16, s17, $0xb8;
	[tilespmem:$0x1E400] =	vst v63  }
0xbd: {  	_ =	swait.ge [sflag:s0], $0x4000  }
0xbe: {  	[sflag:s0] =	ssyncset.done $0x0  }
0xbf: {  	s9 =	simm.s32 $0x1480;
	[sflag:s0] =	ssyncadd.s32 $0xFFFFC000  }
0xc0: {  	[spmem:s3] =	stream.indirect.scatter.add.f32 [tilespmem:s24], [sflag:$0x3], $0x80, s9, s23, $0xb8;
	[tilespmem:$0x1E400] =	vst v63  }
0xc1: {  	_ =	swait.ge [sflag:s15], $0x4000  }
0xc2: {  	[sflag:s15] =	ssyncset.done $0x0  }
0xc3: {  	s16 =	simm.s32 $0x180;
	[sflag:s15] =	ssyncadd.s32 $0xFFFFC000  }
0xc4: {  	[tilespmem:s24], [sflag:$0x2] =	stream.indirect.gather [hbm4b:s2+s17], $0x80, s16, s17, $0xb8;
	[tilespmem:$0x1E400] =	vst v63  }
0xc5: {  	s9 =	simm.s32 $0x1A0  }
0xc6: {  	[tilespmem:s26], [sflag:$0x2] =	stream.indirect.gather [hbm4b:s2+s17], $0x80, s9, s17, $0xb8;
	[tilespmem:$0x1E400] =	vst v63  }
0xc7: {  	s8 =	simm.s32 $0x400;
	s16 =	simm.s32 $0x1C0;
	s9 =	simm.s32 $0x1E0  }
0xc8: {  	[tilespmem:s29], [sflag:$0x2] =	stream.indirect.gather [hbm4b:s2+s17], $0x80, s16, s17, $0xb8;
	[tilespmem:$0x1E400] =	vst v63  }
.LBB2_6:
0xc9: {  	[tilespmem:s31], [sflag:$0x2] =	stream.indirect.gather [hbm4b:s2+s17], $0x80, s9, s17, $0xb8;
	[tilespmem:$0x1E400] =	vst v63  }
0xca: {  	s9 =	smov.u32 s8  }
0xcb: {  	p0 =	sne.s32 s8, $0x4800;
	s8 =	sadd.s32 $0x400, s8;
	_ =	swait.ge [sflag:s1], $0x4000  }
0xcc: {  	s9 =	sshra.s32 s9, $0x2;
	[sflag:s1] =	ssyncset.done $0x0  }
0xcd: {  	s16 =	sadd.s32 $0x1400, s9;
	[sflag:s1] =	ssyncadd.s32 $0xFFFFC000  }
0xce: {  	[spmem:s3] =	stream.indirect.scatter.add.f32 [tilespmem:s14], [sflag:$0x3], $0x80, s16, s23, $0xb8;
	[tilespmem:$0x1E400] =	vst v63  }
0xcf: {  	_ =	swait.ge [sflag:s15], $0x4000  }
0xd0: {  	[sflag:s15] =	ssyncset.done $0x0  }
0xd1: {  	s16 =	sadd.s32 $0x100, s9;
	[sflag:s15] =	ssyncadd.s32 $0xFFFFC000  }
0xd2: {  	[tilespmem:s14], [sflag:$0x1] =	stream.indirect.gather [hbm4b:s2+s17], $0x80, s16, s17, $0xb8;
	[tilespmem:$0x1E400] =	vst v63  }
0xd3: {  	s16 =	sadd.s32 $0x120, s9  }
0xd4: {  	[tilespmem:s18], [sflag:$0x1] =	stream.indirect.gather [hbm4b:s2+s17], $0x80, s16, s17, $0xb8;
	[tilespmem:$0x1E400] =	vst v63  }
0xd5: {  	s16 =	sadd.s32 $0x140, s9  }
0xd6: {  	[tilespmem:s20], [sflag:$0x1] =	stream.indirect.gather [hbm4b:s2+s17], $0x80, s16, s17, $0xb8;
	[tilespmem:$0x1E400] =	vst v63  }
0xd7: {  	s16 =	sadd.s32 $0x160, s9  }
0xd8: {  	[tilespmem:s22], [sflag:$0x1] =	stream.indirect.gather [hbm4b:s2+s17], $0x80, s16, s17, $0xb8;
	[tilespmem:$0x1E400] =	vst v63  }
0xd9: {  	_ =	swait.ge [sflag:s0], $0x4000  }
0xda: {  	[sflag:s0] =	ssyncset.done $0x0  }
0xdb: {  	s16 =	sadd.s32 $0x1480, s9;
	[sflag:s0] =	ssyncadd.s32 $0xFFFFC000  }
0xdc: {  	[spmem:s3] =	stream.indirect.scatter.add.f32 [tilespmem:s24], [sflag:$0x3], $0x80, s16, s23, $0xb8;
	[tilespmem:$0x1E400] =	vst v63  }
0xdd: {  	_ =	swait.ge [sflag:s15], $0x4000  }
0xde: {  	[sflag:s15] =	ssyncset.done $0x0  }
0xdf: {  	s16 =	sadd.s32 $0x180, s9;
	[sflag:s15] =	ssyncadd.s32 $0xFFFFC000  }
0xe0: {  	[tilespmem:s24], [sflag:$0x2] =	stream.indirect.gather [hbm4b:s2+s17], $0x80, s16, s17, $0xb8;
	[tilespmem:$0x1E400] =	vst v63  }
.Ltmp2:
0xe1: {  	s16 =	sadd.s32 $0x1A0, s9;
	(pc) =	sbr.rel @p0 .LBB2_6-.Ltmp2, $4  }
0xe2: {  	[tilespmem:s26], [sflag:$0x2] =	stream.indirect.gather [hbm4b:s2+s17], $0x80, s16, s17, $0xb8;
	[tilespmem:$0x1E400] =	vst v63  }
0xe3: {  	s16 =	sadd.s32 $0x1C0, s9  }
0xe4: {  	[tilespmem:s29], [sflag:$0x2] =	stream.indirect.gather [hbm4b:s2+s17], $0x80, s16, s17, $0xb8;
	[tilespmem:$0x1E400] =	vst v63  }
0xe5: {  	s9 =	sadd.s32 $0x1E0, s9  }
0xe6: {  	[tilespmem:s31], [sflag:$0x2] =	stream.indirect.gather [hbm4b:s2+s17], $0x80, s9, s17, $0xb8;
	[tilespmem:$0x1E400] =	vst v63  }
0xe7: {  	_ =	swait.ge [sflag:s1], $0x4000  }
0xe8: {  	[sflag:s1] =	ssyncset.done $0x0  }
0xe9: {  	[sflag:s1] =	ssyncadd.s32 $0xFFFFC000  }
0xea: {  	[spmem:s3] =	stream.indirect.scatter.add.f32 [tilespmem:s14], [sflag:$0x3], $0x80, s6, s23, $0xb8;
	[tilespmem:$0x1E400] =	vst v63  }
0xeb: {  	_ =	swait.ge [sflag:s15], $0x4000  }
0xec: {  	[sflag:s15] =	ssyncset.done $0x0  }
0xed: {  	[sflag:s15] =	ssyncadd.s32 $0xFFFFC000  }
0xee: {  	_ =	swait.ge [sflag:s0], $0x4000  }
0xef: {  	[sflag:s0] =	ssyncset.done $0x0  }
0xf0: {  	[sflag:s0] =	ssyncadd.s32 $0xFFFFC000  }
0xf1: {  	[spmem:s3] =	stream.indirect.scatter.add.f32 [tilespmem:s24], [sflag:$0x3], $0x80, s7, s23, $0xb8;
	[tilespmem:$0x1E400] =	vst v63  }
0xf2: {  	s8 =	stileid.u32;
	_ =	swait.ge [sflag:s15], $0x4000  }
0xf3: {  	s16 =	sshrl.u32 s5, $0x3;
	s4 =	sadd.s32 $0x1, s4;
	[sflag:s15] =	ssyncset.done $0x0  }
0xf4: {  	s8 =	sshll.u32 s8, $0x6;
	p0 =	sne.s32 s4, s13;
	[sflag:s15] =	ssyncadd.s32 $0xFFFFC000  }
.Ltmp3:
0xf5: {  	s8 =	sor.u32 $0x1C03, s8;
	[bflag:$0x0] =	sbarrier.arrive $0xFFFF;
	(pc) =	sbr.rel @p0 .LBB2_1-.Ltmp3, $4  }
0xf6: {  	[hbm:s12], [sflag:s8] =	dma.local [spmem:s16], $0x2780  }
0xf7: {  	_ =	swait.ge [sflag:s15], $0x2780  }
0xf8: {  	[sflag:s15] =	ssyncset.done $0x0  }
0xf9: {  	[sflag:s15] =	ssyncadd.s32 $0xFFFFD880  }
0xfa: {  	_ =	sfence.sel $0x180000  }
0xfb: {  	[bflag:$0x0] =	sbarrier.arrive $0xFFFF  }
0xfc: {  	_ =	strace $0x90000047  }
0xfd: {  	s0 =	stileid.u32;
	[bflag:$0x2] =	sbarrier.arrive $0xFFFF  }
0xfe: {  	p0 =	sne.s32 s0, $0x0;
	s0 =	rddreg [dreg:$0x3]  }
0xff: {  	s0 =	sadd.s32 @!p0 $0x100000, s0  }
0x100: {  	[sflag:s0] =	ssyncadd.tile.s32 @!p0 $0x1;
	_ =	shalt  }
.Lfunc_end2:
_tile_overlayer_lowered:
.L_overlay_start_2:
0x101: {  	(tag) =	ssettag $0x2  }
0x102: {  	s0 =	rddreg [dreg:$0x0];
	s2 =	stileid.u32  }
0x103: {  	s1 =	rddreg [dreg:$0x1];
	p0 =	sne.s32 s2, $0x0  }
0x104: {  	s3 =	rddreg [dreg:$0x2];
	[bflag:$0x3] =	sbarrier.arrive $0xFFFF;
	s2 =	simm.s32 @!p0 $0x1C03  }
0x105: {  	[timem:s3], [sflag:s2] =	dma.local @!p0 [hbm:s0], s1  }
0x106: {  	s0 =	simm.s32 @!p0 $0x3  }
0x107: {  	_ =	swait.ge @!p0 [sflag:s0], s1  }
0x108: {  	s1 =	ssub.s32 @!p0 $0x0, s1;
	[sflag:s0] =	ssyncset.done @!p0 $0x0  }
0x109: {  	[sflag:s0] =	ssyncadd.s32 @!p0 s1  }
0x10a: {  	[bflag:$0x3] =	sbarrier.arrive $0xFFFF  }
0x10b: {  	_ =	shalt  }

</sc_bundles>
